<compile_context>
chip_gen: v7x
topology: tpu7x:2x2x1
jax: 0.10.2.dev20260603
libtpu: 0.0.44.dev20260713+nightly
codegen_flags: <defaults>
</compile_context>

<pallas_src>
import functools

import jax
import jax.numpy as jnp
from jax import lax
from jax.experimental import pallas as pl
from jax.experimental.pallas import tpu as pltpu
from jax.experimental.pallas import tpu_sc as plsc

B, T, V, D, H, NC = 1024, 50, 100000, 100, 128, 7
DP = 128
G4 = 4 * H
BT = B * T

_NCORE, _NSUB = 2, 16
_NW = _NCORE * _NSUB
_PER_W = BT // _NW
_CHUNK = 80
_NCHUNK = _PER_W // _CHUNK


def _sc_gather(table, idx_flat):
  mesh = plsc.VectorSubcoreMesh(core_axis_name="c", subcore_axis_name="s")

  @functools.partial(
      pl.kernel,
      out_type=jax.ShapeDtypeStruct((BT, DP), jnp.float32),
      mesh=mesh,
      scratch_types=[
          pltpu.VMEM((_PER_W,), jnp.int32),
          pltpu.VMEM((_CHUNK, DP), jnp.float32),
          pltpu.VMEM((_CHUNK, DP), jnp.float32),
          pltpu.SemaphoreType.DMA,
          pltpu.SemaphoreType.DMA,
      ],
  )
  def gather_kernel(table_hbm, idx_hbm, out_hbm, idx_v, rows_a, rows_b, sem_a,
                    sem_b):
    wid = lax.axis_index("s") * _NCORE + lax.axis_index("c")
    base = wid * _PER_W
    pltpu.sync_copy(idx_hbm.at[pl.ds(base, _PER_W)], idx_v)
    bufs = ((rows_a, sem_a), (rows_b, sem_b))

    def start(j):
      rows, sem = bufs[j % 2]
      return pltpu.async_copy(
          table_hbm.at[idx_v.at[pl.ds(j * _CHUNK, _CHUNK)]], rows, sem)

    pending = start(0)
    for j in range(_NCHUNK):
      nxt = start(j + 1) if j + 1 < _NCHUNK else None
      pending.wait()
      pltpu.sync_copy(bufs[j % 2][0],
                      out_hbm.at[pl.ds(base + j * _CHUNK, _CHUNK)])
      pending = nxt

  return gather_kernel(table, idx_flat)


def _tpad_body(xt_ref, o_ref):
  blk = o_ref.shape[0]
  rows = xt_ref[...].T
  o_ref[...] = jnp.concatenate(
      [rows, jnp.zeros((blk, DP - D), jnp.float32)], axis=1)


def _pad_table(table_t):
  blkc = 16384
  nblk = (V + blkc - 1) // blkc
  return pl.pallas_call(
      _tpad_body,
      grid=(nblk,),
      in_specs=[pl.BlockSpec((D, blkc), lambda i: (0, i))],
      out_specs=pl.BlockSpec((blkc, DP), lambda i: (i, 0)),
      out_shape=jax.ShapeDtypeStruct((V, DP), jnp.float32),
  )(table_t)


def _lstm_step(x_parts, w_t, bias, h, c):
  xin = jnp.concatenate(
      [xp.astype(jnp.bfloat16) for xp in x_parts] + [h[...]], axis=1)
  g = jnp.dot(xin, w_t[...], preferred_element_type=jnp.float32) + bias[...]
  gi = 0.5 * jnp.tanh(g[:, :H]) + 0.5
  gf = 0.5 * jnp.tanh(g[:, H:2 * H]) + 0.5
  gg = jnp.tanh(g[:, 2 * H:3 * H])
  go = 0.5 * jnp.tanh(g[:, 3 * H:]) + 0.5
  c2 = gf * c[...] + gi * gg
  h2 = go * jnp.tanh(c2)
  return h2, c2


def _layer0_body(xf_ref, xb_ref, wf, bsf, wb, bsb,
                 yf_ref, yb_ref, hf, cf, hb, cb):
  t = pl.program_id(0)

  @pl.when(t == 0)
  def _():
    for r in (hf, cf, hb, cb):
      r[...] = jnp.zeros_like(r)

  h2f, c2f = _lstm_step([xf_ref[...]], wf, bsf, hf, cf)
  h2fb = h2f.astype(jnp.bfloat16)
  hf[...] = h2fb
  cf[...] = c2f
  yf_ref[...] = h2fb

  h2b, c2b = _lstm_step([xb_ref[...]], wb, bsb, hb, cb)
  h2bb = h2b.astype(jnp.bfloat16)
  hb[...] = h2bb
  cb[...] = c2b
  yb_ref[...] = h2bb


def _layer1_body(ff_ref, fb_ref, rf_ref, rb_ref, wf, bsf, wb, bsb,
                 fcw, fcb, out_ref, hf, cf, hb, cb, yb_last):
  t = pl.program_id(0)

  @pl.when(t == 0)
  def _():
    for r in (hf, cf, hb, cb):
      r[...] = jnp.zeros_like(r)

  h2f, c2f = _lstm_step([ff_ref[...], fb_ref[...]], wf, bsf, hf, cf)
  hf[...] = h2f.astype(jnp.bfloat16)
  cf[...] = c2f

  h2b, c2b = _lstm_step([rf_ref[...], rb_ref[...]], wb, bsb, hb, cb)
  hb[...] = h2b.astype(jnp.bfloat16)
  cb[...] = c2b

  @pl.when(t == 0)
  def _():
    yb_last[...] = h2b

  @pl.when(t == T - 1)
  def _():
    logits = (jnp.dot(h2f, fcw[:H, :], preferred_element_type=jnp.float32)
              + jnp.dot(yb_last[...], fcw[H:, :],
                        preferred_element_type=jnp.float32)
              + fcb[...])
    out_ref[...] = logits


def _rep(shape):
  return pl.BlockSpec(shape, lambda t: tuple(0 for _ in shape))


def _bilstm_l0(x, wf, bsf, wb, bsb):
  fwd = pl.BlockSpec((B, DP), lambda t: (t, 0))
  rev = pl.BlockSpec((B, DP), lambda t: (T - 1 - t, 0))
  return pl.pallas_call(
      _layer0_body,
      grid=(T,),
      in_specs=[fwd, rev, _rep((DP + H, G4)), _rep((1, G4)),
                _rep((DP + H, G4)), _rep((1, G4))],
      out_specs=[pl.BlockSpec((B, H), lambda t: (t, 0)),
                 pl.BlockSpec((B, H), lambda t: (T - 1 - t, 0))],
      out_shape=[jax.ShapeDtypeStruct((BT, H), jnp.bfloat16)] * 2,
      scratch_shapes=[pltpu.VMEM((B, H), jnp.bfloat16),
                      pltpu.VMEM((B, H), jnp.float32),
                      pltpu.VMEM((B, H), jnp.bfloat16),
                      pltpu.VMEM((B, H), jnp.float32)],
  )(x, x, wf, bsf, wb, bsb)


def _bilstm_l1_fc(yf, yb, wf, bsf, wb, bsb, fcw_t, fcb):
  fwd = pl.BlockSpec((B, H), lambda t: (t, 0))
  rev = pl.BlockSpec((B, H), lambda t: (T - 1 - t, 0))
  return pl.pallas_call(
      _layer1_body,
      grid=(T,),
      in_specs=[fwd, fwd, rev, rev,
                _rep((3 * H, G4)), _rep((1, G4)),
                _rep((3 * H, G4)), _rep((1, G4)),
                _rep((2 * H, NC)), _rep((1, NC))],
      out_specs=pl.BlockSpec((B, NC), lambda t: (0, 0)),
      out_shape=jax.ShapeDtypeStruct((B, NC), jnp.float32),
      scratch_shapes=[pltpu.VMEM((B, H), jnp.bfloat16),
                      pltpu.VMEM((B, H), jnp.float32),
                      pltpu.VMEM((B, H), jnp.bfloat16),
                      pltpu.VMEM((B, H), jnp.float32),
                      pltpu.VMEM((B, H), jnp.float32)],
  )(yf, yb, yf, yb, wf, bsf, wb, bsb, fcw_t, fcb)


def kernel(indices, emb_table,
           W_ih_l0_f, W_hh_l0_f, b_ih_l0_f, b_hh_l0_f,
           W_ih_l0_b, W_hh_l0_b, b_ih_l0_b, b_hh_l0_b,
           W_ih_l1_f, W_hh_l1_f, b_ih_l1_f, b_hh_l1_f,
           W_ih_l1_b, W_hh_l1_b, b_ih_l1_b, b_hh_l1_b,
           fc_W, fc_b):
  idx_flat = indices.T.reshape(BT)
  table_p = _pad_table(emb_table.T)
  x = _sc_gather(table_p, idx_flat)

  def prep(wih, whh, bih, bhh, pad=0):
    wt = wih.T
    if pad:
      wt = jnp.pad(wt, ((0, pad), (0, 0)))
    wcat = jnp.concatenate([wt, whh.T], axis=0)
    scale = jnp.concatenate([jnp.full((H,), 0.5, jnp.float32)] * 2
                            + [jnp.ones((H,), jnp.float32),
                               jnp.full((H,), 0.5, jnp.float32)])
    return ((wcat * scale[None, :]).astype(jnp.bfloat16),
            ((bih + bhh) * scale).reshape(1, G4))

  w0f = prep(W_ih_l0_f, W_hh_l0_f, b_ih_l0_f, b_hh_l0_f, DP - D)
  w0b = prep(W_ih_l0_b, W_hh_l0_b, b_ih_l0_b, b_hh_l0_b, DP - D)
  yf, ybk = _bilstm_l0(x, *w0f, *w0b)

  w1f = prep(W_ih_l1_f, W_hh_l1_f, b_ih_l1_f, b_hh_l1_f)
  w1b = prep(W_ih_l1_b, W_hh_l1_b, b_ih_l1_b, b_hh_l1_b)
  return _bilstm_l1_fc(yf, ybk, *w1f, *w1b, fc_W.T, fc_b.reshape(1, NC))

# --- scband reference (transcript-rebuilt; emitter-appended) ---
"""Pipeline reference for scband-cra-188978561145 (READ-ONLY COPY).

The authoritative reference and input builder live on the scoring server;
editing this copy changes nothing except your own understanding.
"""

import jax, jax.numpy as jnp
import numpy as np

B, T, V, D, H, NC = 1024, 50, 100000, 100, 128, 7

PNAMES = ['emb_table',
          'W_ih_l0_f', 'W_hh_l0_f', 'b_ih_l0_f', 'b_hh_l0_f',
          'W_ih_l0_b', 'W_hh_l0_b', 'b_ih_l0_b', 'b_hh_l0_b',
          'W_ih_l1_f', 'W_hh_l1_f', 'b_ih_l1_f', 'b_hh_l1_f',
          'W_ih_l1_b', 'W_hh_l1_b', 'b_ih_l1_b', 'b_hh_l1_b',
          'fc_W', 'fc_b']


def setup_inputs(seed: int = 0):
    key = jax.random.key(seed)
    ks = jax.random.split(key, 32)
    inp = {}
    inp['indices'] = jax.random.randint(ks[0], (B, T), 0, V, dtype=jnp.int32)
    inp['emb_table'] = jax.random.normal(ks[1], (V, D), dtype=jnp.float32) * 0.1
    i = 2
    for l, din in ((0, D), (1, 2 * H)):
        for d in ('f', 'b'):
            inp['W_ih_l%d_%s' % (l, d)] = jax.random.normal(ks[i], (4 * H, din), dtype=jnp.float32) * 0.05; i += 1
            inp['W_hh_l%d_%s' % (l, d)] = jax.random.normal(ks[i], (4 * H, H), dtype=jnp.float32) * 0.05; i += 1
            inp['b_ih_l%d_%s' % (l, d)] = jax.random.normal(ks[i], (4 * H,), dtype=jnp.float32) * 0.05; i += 1
            inp['b_hh_l%d_%s' % (l, d)] = jax.random.normal(ks[i], (4 * H,), dtype=jnp.float32) * 0.05; i += 1
    inp['fc_W'] = jax.random.normal(ks[i], (NC, 2 * H), dtype=jnp.float32) * 0.05; i += 1
    inp['fc_b'] = jnp.zeros((NC,), dtype=jnp.float32)
    return inp


def _run_dir(x, Wih, Whh, bih, bhh):
    Bt = x.shape[1]
    Hh = Whh.shape[1]

    def step(carry, xt):
        h, c = carry
        g = xt @ Wih.T + bih + h @ Whh.T + bhh
        gi, gf, gg, go = jnp.split(g, 4, axis=-1)
        c2 = jax.nn.sigmoid(gf) * c + jax.nn.sigmoid(gi) * jnp.tanh(gg)
        h2 = jax.nn.sigmoid(go) * jnp.tanh(c2)
        return (h2, c2), h2

    init = (jnp.zeros((Bt, Hh), x.dtype), jnp.zeros((Bt, Hh), x.dtype))
    _, ys = jax.lax.scan(step, init, x)
    return ys


def _bilstm_layer(x, Wf, Uf, bif, bhf, Wb, Ub, bib, bhb):
    yf = _run_dir(x, Wf, Uf, bif, bhf)
    yb = _run_dir(x[::-1], Wb, Ub, bib, bhb)[::-1]
    return jnp.concatenate([yf, yb], axis=-1)


def _forward(indices, p):
    # Embedding lookup (frozen pretrained table in original module)
    emb = jnp.take(p['emb_table'], indices, axis=0)          # [B, T, D]
    x = jnp.transpose(emb, (1, 0, 2))                         # [T, B, D] time-major
    # 2-layer bidirectional LSTM (PyTorch gate order i, f, g, o)
    x = _bilstm_layer(x, p['W_ih_l0_f'], p['W_hh_l0_f'], p['b_ih_l0_f'], p['b_hh_l0_f'],
                      p['W_ih_l0_b'], p['W_hh_l0_b'], p['b_ih_l0_b'], p['b_hh_l0_b'])
    x = _bilstm_layer(x, p['W_ih_l1_f'], p['W_hh_l1_f'], p['b_ih_l1_f'], p['b_hh_l1_f'],
                      p['W_ih_l1_b'], p['W_hh_l1_b'], p['b_ih_l1_b'], p['b_hh_l1_b'])
    out = jnp.transpose(x, (1, 0, 2))                         # [B, T, 2H]
    last = out[:, -1, :]                                      # last time step
    return last @ p['fc_W'].T + p['fc_b']                     # [B, num_classes]


def reference(indices, emb_table,
              W_ih_l0_f, W_hh_l0_f, b_ih_l0_f, b_hh_l0_f,
              W_ih_l0_b, W_hh_l0_b, b_ih_l0_b, b_hh_l0_b,
              W_ih_l1_f, W_hh_l1_f, b_ih_l1_f, b_hh_l1_f,
              W_ih_l1_b, W_hh_l1_b, b_ih_l1_b, b_hh_l1_b,
              fc_W, fc_b):
    kw = {'emb_table': emb_table,
          'W_ih_l0_f': W_ih_l0_f, 'W_hh_l0_f': W_hh_l0_f, 'b_ih_l0_f': b_ih_l0_f, 'b_hh_l0_f': b_hh_l0_f,
          'W_ih_l0_b': W_ih_l0_b, 'W_hh_l0_b': W_hh_l0_b, 'b_ih_l0_b': b_ih_l0_b, 'b_hh_l0_b': b_hh_l0_b,
          'W_ih_l1_f': W_ih_l1_f, 'W_hh_l1_f': W_hh_l1_f, 'b_ih_l1_f': b_ih_l1_f, 'b_hh_l1_f': b_hh_l1_f,
          'W_ih_l1_b': W_ih_l1_b, 'W_hh_l1_b': W_hh_l1_b, 'b_ih_l1_b': b_ih_l1_b, 'b_hh_l1_b': b_hh_l1_b,
          'fc_W': fc_W, 'fc_b': fc_b}
    p = {n: kw[n] for n in PNAMES}
    return _forward(indices, p)

if __name__ == "__main__":
    import jax
    _d = setup_inputs()
    print(jax.jit(kernel)(*tuple(_d.values())))

</pallas_src>

<mosaic_0001>
#map = affine_map<(d0, d1) -> (0, 0)>
#map1 = affine_map<(d0, d1) -> (0)>
module attributes {stable_mosaic.version = 14 : i64} {
  func.func @gather_kernel(%arg0: i32, %arg1: i32, %arg2: memref<100000x128xf32, #tpu.memory_space<hbm>>, %arg3: memref<51200xi32, #tpu.memory_space<hbm>>, %arg4: memref<51200x128xf32, #tpu.memory_space<hbm>>, %arg5: memref<1600xi32, #tpu.memory_space<vmem>>, %arg6: memref<80x128xf32, #tpu.memory_space<vmem>>, %arg7: memref<80x128xf32, #tpu.memory_space<vmem>>, %arg8: memref<!tpu.dma_semaphore, #tpu.memory_space<semaphore_mem>>, %arg9: memref<!tpu.dma_semaphore, #tpu.memory_space<semaphore_mem>>) attributes {dimension_semantics = [#tpu.dimension_semantics<core_parallel>, #tpu.dimension_semantics<subcore_parallel>], iteration_bounds = array<i64: 2, 16>, scalar_prefetch = 0 : i64, scratch_operands = 5 : i64, tpu.core_type = #tpu.core_type<sc_vector_subcore>, window_params = [{transform_indices = #map}, {transform_indices = #map1}, {transform_indices = #map}]} {
    %mul3A = arith.constant 2 : i32
    %mul3A_0 = arith.muli %arg1, %mul3A : i32
    %add3A = arith.addi %mul3A_0, %arg0 : i32
    %mul3A_1 = arith.constant 1600 : i32
    %mul3A_2 = arith.muli %add3A, %mul3A_1 : i32
    "tpu.region"() ({
      %run_scoped3A = tpu.sem_alloc : memref<!tpu.dma_semaphore, #tpu.memory_space<semaphore_mem>>
      %dma_start3A_241 = tpu.memref_slice %arg3[%mul3A_2] : memref<51200xi32, #tpu.memory_space<hbm>> -> memref<1600xi32, #tpu.memory_space<hbm>>
      %dma_start3A_242 = tpu.memref_slice %arg3[%mul3A_2] : memref<51200xi32, #tpu.memory_space<hbm>> -> memref<1600xi32, #tpu.memory_space<hbm>>
      tpu.enqueue_dma source(%dma_start3A_242 : memref<1600xi32, #tpu.memory_space<hbm>>) target(%arg5 : memref<1600xi32, #tpu.memory_space<vmem>>) target_semaphore(%run_scoped3A : memref<!tpu.dma_semaphore, #tpu.memory_space<semaphore_mem>>)
      %dma_wait3A_243 = tpu.memref_slice %arg3[%mul3A_2] : memref<51200xi32, #tpu.memory_space<hbm>> -> memref<1600xi32, #tpu.memory_space<hbm>>
      %dma_wait3A_244 = tpu.memref_slice %arg3[%mul3A_2] : memref<51200xi32, #tpu.memory_space<hbm>> -> memref<1600xi32, #tpu.memory_space<hbm>>
      tpu.wait_dma2 semaphore(%run_scoped3A : memref<!tpu.dma_semaphore, #tpu.memory_space<semaphore_mem>>) src(%dma_wait3A_244 : memref<1600xi32, #tpu.memory_space<hbm>>) dst(%arg5 : memref<1600xi32, #tpu.memory_space<vmem>>)
      tpu.yield
    }) : () -> ()
    %dma_start3A = arith.constant 0 : i32
    %dma_start3A_3 = tpu.memref_slice %arg5[%dma_start3A] : memref<1600xi32, #tpu.memory_space<vmem>> -> memref<80xi32, #tpu.memory_space<vmem>>
    %dma_start3A_4 = arith.constant 0 : i32
    %dma_start3A_5 = arith.constant 0 : i32
    %dma_start3A_6 = tpu.memref_slice %arg2[%dma_start3A_4, %dma_start3A_5] : memref<100000x128xf32, #tpu.memory_space<hbm>> -> memref<100000x128xf32, #tpu.memory_space<hbm>>
    tpu.enqueue_indirect_dma source(%dma_start3A_6 : memref<100000x128xf32, #tpu.memory_space<hbm>>) target(%arg6 : memref<80x128xf32, #tpu.memory_space<vmem>>) offsets(%dma_start3A_3 : memref<80xi32, #tpu.memory_space<vmem>>) semaphore(%arg8 : memref<!tpu.dma_semaphore, #tpu.memory_space<semaphore_mem>>)
    %dma_start3A_7 = arith.constant 80 : i32
    %dma_start3A_8 = tpu.memref_slice %arg5[%dma_start3A_7] : memref<1600xi32, #tpu.memory_space<vmem>> -> memref<80xi32, #tpu.memory_space<vmem>>
    %dma_start3A_9 = arith.constant 0 : i32
    %dma_start3A_10 = arith.constant 0 : i32
    %dma_start3A_11 = tpu.memref_slice %arg2[%dma_start3A_9, %dma_start3A_10] : memref<100000x128xf32, #tpu.memory_space<hbm>> -> memref<100000x128xf32, #tpu.memory_space<hbm>>
    tpu.enqueue_indirect_dma source(%dma_start3A_11 : memref<100000x128xf32, #tpu.memory_space<hbm>>) target(%arg7 : memref<80x128xf32, #tpu.memory_space<vmem>>) offsets(%dma_start3A_8 : memref<80xi32, #tpu.memory_space<vmem>>) semaphore(%arg9 : memref<!tpu.dma_semaphore, #tpu.memory_space<semaphore_mem>>)
    %dma_wait3A = arith.constant 0 : i32
    %dma_wait3A_12 = tpu.memref_slice %arg5[%dma_wait3A] : memref<1600xi32, #tpu.memory_space<vmem>> -> memref<80xi32, #tpu.memory_space<vmem>>
    %dma_wait3A_13 = arith.constant 0 : i32
    %dma_wait3A_14 = arith.constant 0 : i32
    %dma_wait3A_15 = tpu.memref_slice %arg2[%dma_wait3A_13, %dma_wait3A_14] : memref<100000x128xf32, #tpu.memory_space<hbm>> -> memref<100000x128xf32, #tpu.memory_space<hbm>>
    tpu.wait_indirect_dma semaphore(%arg8 : memref<!tpu.dma_semaphore, #tpu.memory_space<semaphore_mem>>) src(%dma_wait3A_15 : memref<100000x128xf32, #tpu.memory_space<hbm>>) dst(%arg6 : memref<80x128xf32, #tpu.memory_space<vmem>>)
    %add3A_16 = arith.constant 0 : i32
    %add3A_17 = arith.addi %mul3A_2, %add3A_16 : i32
    "tpu.region"() ({
      %run_scoped3A = tpu.sem_alloc : memref<!tpu.dma_semaphore, #tpu.memory_space<semaphore_mem>>
      %dma_start3A_241 = arith.constant 0 : i32
      %dma_start3A_242 = tpu.memref_slice %arg4[%add3A_17, %dma_start3A_241] : memref<51200x128xf32, #tpu.memory_space<hbm>> -> memref<80x128xf32, #tpu.memory_space<hbm>>
      %dma_start3A_243 = arith.constant 0 : i32
      %dma_start3A_244 = tpu.memref_slice %arg4[%add3A_17, %dma_start3A_243] : memref<51200x128xf32, #tpu.memory_space<hbm>> -> memref<80x128xf32, #tpu.memory_space<hbm>>
      tpu.enqueue_dma source(%arg6 : memref<80x128xf32, #tpu.memory_space<vmem>>) target(%dma_start3A_244 : memref<80x128xf32, #tpu.memory_space<hbm>>) target_semaphore(%run_scoped3A : memref<!tpu.dma_semaphore, #tpu.memory_space<semaphore_mem>>)
      %dma_wait3A_245 = arith.constant 0 : i32
      %dma_wait3A_246 = tpu.memref_slice %arg4[%add3A_17, %dma_wait3A_245] : memref<51200x128xf32, #tpu.memory_space<hbm>> -> memref<80x128xf32, #tpu.memory_space<hbm>>
      %dma_wait3A_247 = arith.constant 0 : i32
      %dma_wait3A_248 = tpu.memref_slice %arg4[%add3A_17, %dma_wait3A_247] : memref<51200x128xf32, #tpu.memory_space<hbm>> -> memref<80x128xf32, #tpu.memory_space<hbm>>
      tpu.wait_dma2 semaphore(%run_scoped3A : memref<!tpu.dma_semaphore, #tpu.memory_space<semaphore_mem>>) src(%arg6 : memref<80x128xf32, #tpu.memory_space<vmem>>) dst(%dma_wait3A_248 : memref<80x128xf32, #tpu.memory_space<hbm>>)
      tpu.yield
    }) : () -> ()
    %dma_start3A_18 = arith.constant 160 : i32
    %dma_start3A_19 = tpu.memref_slice %arg5[%dma_start3A_18] : memref<1600xi32, #tpu.memory_space<vmem>> -> memref<80xi32, #tpu.memory_space<vmem>>
    %dma_start3A_20 = arith.constant 0 : i32
    %dma_start3A_21 = arith.constant 0 : i32
    %dma_start3A_22 = tpu.memref_slice %arg2[%dma_start3A_20, %dma_start3A_21] : memref<100000x128xf32, #tpu.memory_space<hbm>> -> memref<100000x128xf32, #tpu.memory_space<hbm>>
    tpu.enqueue_indirect_dma source(%dma_start3A_22 : memref<100000x128xf32, #tpu.memory_space<hbm>>) target(%arg6 : memref<80x128xf32, #tpu.memory_space<vmem>>) offsets(%dma_start3A_19 : memref<80xi32, #tpu.memory_space<vmem>>) semaphore(%arg8 : memref<!tpu.dma_semaphore, #tpu.memory_space<semaphore_mem>>)
    %dma_wait3A_23 = arith.constant 80 : i32
    %dma_wait3A_24 = tpu.memref_slice %arg5[%dma_wait3A_23] : memref<1600xi32, #tpu.memory_space<vmem>> -> memref<80xi32, #tpu.memory_space<vmem>>
    %dma_wait3A_25 = arith.constant 0 : i32
    %dma_wait3A_26 = arith.constant 0 : i32
    %dma_wait3A_27 = tpu.memref_slice %arg2[%dma_wait3A_25, %dma_wait3A_26] : memref<100000x128xf32, #tpu.memory_space<hbm>> -> memref<100000x128xf32, #tpu.memory_space<hbm>>
    tpu.wait_indirect_dma semaphore(%arg9 : memref<!tpu.dma_semaphore, #tpu.memory_space<semaphore_mem>>) src(%dma_wait3A_27 : memref<100000x128xf32, #tpu.memory_space<hbm>>) dst(%arg7 : memref<80x128xf32, #tpu.memory_space<vmem>>)
    %add3A_28 = arith.constant 80 : i32
    %add3A_29 = arith.addi %mul3A_2, %add3A_28 : i32
    "tpu.region"() ({
      %run_scoped3A = tpu.sem_alloc : memref<!tpu.dma_semaphore, #tpu.memory_space<semaphore_mem>>
      %dma_start3A_241 = arith.constant 0 : i32
      %dma_start3A_242 = tpu.memref_slice %arg4[%add3A_29, %dma_start3A_241] : memref<51200x128xf32, #tpu.memory_space<hbm>> -> memref<80x128xf32, #tpu.memory_space<hbm>>
      %dma_start3A_243 = arith.constant 0 : i32
      %dma_start3A_244 = tpu.memref_slice %arg4[%add3A_29, %dma_start3A_243] : memref<51200x128xf32, #tpu.memory_space<hbm>> -> memref<80x128xf32, #tpu.memory_space<hbm>>
      tpu.enqueue_dma source(%arg7 : memref<80x128xf32, #tpu.memory_space<vmem>>) target(%dma_start3A_244 : memref<80x128xf32, #tpu.memory_space<hbm>>) target_semaphore(%run_scoped3A : memref<!tpu.dma_semaphore, #tpu.memory_space<semaphore_mem>>)
      %dma_wait3A_245 = arith.constant 0 : i32
      %dma_wait3A_246 = tpu.memref_slice %arg4[%add3A_29, %dma_wait3A_245] : memref<51200x128xf32, #tpu.memory_space<hbm>> -> memref<80x128xf32, #tpu.memory_space<hbm>>
      %dma_wait3A_247 = arith.constant 0 : i32
      %dma_wait3A_248 = tpu.memref_slice %arg4[%add3A_29, %dma_wait3A_247] : memref<51200x128xf32, #tpu.memory_space<hbm>> -> memref<80x128xf32, #tpu.memory_space<hbm>>
      tpu.wait_dma2 semaphore(%run_scoped3A : memref<!tpu.dma_semaphore, #tpu.memory_space<semaphore_mem>>) src(%arg7 : memref<80x128xf32, #tpu.memory_space<vmem>>) dst(%dma_wait3A_248 : memref<80x128xf32, #tpu.memory_space<hbm>>)
      tpu.yield
    }) : () -> ()
    %dma_start3A_30 = arith.constant 240 : i32
    %dma_start3A_31 = tpu.memref_slice %arg5[%dma_start3A_30] : memref<1600xi32, #tpu.memory_space<vmem>> -> memref<80xi32, #tpu.memory_space<vmem>>
    %dma_start3A_32 = arith.constant 0 : i32
    %dma_start3A_33 = arith.constant 0 : i32
    %dma_start3A_34 = tpu.memref_slice %arg2[%dma_start3A_32, %dma_start3A_33] : memref<100000x128xf32, #tpu.memory_space<hbm>> -> memref<100000x128xf32, #tpu.memory_space<hbm>>
    tpu.enqueue_indirect_dma source(%dma_start3A_34 : memref<100000x128xf32, #tpu.memory_space<hbm>>) target(%arg7 : memref<80x128xf32, #tpu.memory_space<vmem>>) offsets(%dma_start3A_31 : memref<80xi32, #tpu.memory_space<vmem>>) semaphore(%arg9 : memref<!tpu.dma_semaphore, #tpu.memory_space<semaphore_mem>>)
    %dma_wait3A_35 = arith.constant 160 : i32
    %dma_wait3A_36 = tpu.memref_slice %arg5[%dma_wait3A_35] : memref<1600xi32, #tpu.memory_space<vmem>> -> memref<80xi32, #tpu.memory_space<vmem>>
    %dma_wait3A_37 = arith.constant 0 : i32
    %dma_wait3A_38 = arith.constant 0 : i32
    %dma_wait3A_39 = tpu.memref_slice %arg2[%dma_wait3A_37, %dma_wait3A_38] : memref<100000x128xf32, #tpu.memory_space<hbm>> -> memref<100000x128xf32, #tpu.memory_space<hbm>>
    tpu.wait_indirect_dma semaphore(%arg8 : memref<!tpu.dma_semaphore, #tpu.memory_space<semaphore_mem>>) src(%dma_wait3A_39 : memref<100000x128xf32, #tpu.memory_space<hbm>>) dst(%arg6 : memref<80x128xf32, #tpu.memory_space<vmem>>)
    %add3A_40 = arith.constant 160 : i32
    %add3A_41 = arith.addi %mul3A_2, %add3A_40 : i32
    "tpu.region"() ({
      %run_scoped3A = tpu.sem_alloc : memref<!tpu.dma_semaphore, #tpu.memory_space<semaphore_mem>>
      %dma_start3A_241 = arith.constant 0 : i32
      %dma_start3A_242 = tpu.memref_slice %arg4[%add3A_41, %dma_start3A_241] : memref<51200x128xf32, #tpu.memory_space<hbm>> -> memref<80x128xf32, #tpu.memory_space<hbm>>
      %dma_start3A_243 = arith.constant 0 : i32
      %dma_start3A_244 = tpu.memref_slice %arg4[%add3A_41, %dma_start3A_243] : memref<51200x128xf32, #tpu.memory_space<hbm>> -> memref<80x128xf32, #tpu.memory_space<hbm>>
      tpu.enqueue_dma source(%arg6 : memref<80x128xf32, #tpu.memory_space<vmem>>) target(%dma_start3A_244 : memref<80x128xf32, #tpu.memory_space<hbm>>) target_semaphore(%run_scoped3A : memref<!tpu.dma_semaphore, #tpu.memory_space<semaphore_mem>>)
      %dma_wait3A_245 = arith.constant 0 : i32
      %dma_wait3A_246 = tpu.memref_slice %arg4[%add3A_41, %dma_wait3A_245] : memref<51200x128xf32, #tpu.memory_space<hbm>> -> memref<80x128xf32, #tpu.memory_space<hbm>>
      %dma_wait3A_247 = arith.constant 0 : i32
      %dma_wait3A_248 = tpu.memref_slice %arg4[%add3A_41, %dma_wait3A_247] : memref<51200x128xf32, #tpu.memory_space<hbm>> -> memref<80x128xf32, #tpu.memory_space<hbm>>
      tpu.wait_dma2 semaphore(%run_scoped3A : memref<!tpu.dma_semaphore, #tpu.memory_space<semaphore_mem>>) src(%arg6 : memref<80x128xf32, #tpu.memory_space<vmem>>) dst(%dma_wait3A_248 : memref<80x128xf32, #tpu.memory_space<hbm>>)
      tpu.yield
    }) : () -> ()
    %dma_start3A_42 = arith.constant 320 : i32
    %dma_start3A_43 = tpu.memref_slice %arg5[%dma_start3A_42] : memref<1600xi32, #tpu.memory_space<vmem>> -> memref<80xi32, #tpu.memory_space<vmem>>
    %dma_start3A_44 = arith.constant 0 : i32
    %dma_start3A_45 = arith.constant 0 : i32
    %dma_start3A_46 = tpu.memref_slice %arg2[%dma_start3A_44, %dma_start3A_45] : memref<100000x128xf32, #tpu.memory_space<hbm>> -> memref<100000x128xf32, #tpu.memory_space<hbm>>
    tpu.enqueue_indirect_dma source(%dma_start3A_46 : memref<100000x128xf32, #tpu.memory_space<hbm>>) target(%arg6 : memref<80x128xf32, #tpu.memory_space<vmem>>) offsets(%dma_start3A_43 : memref<80xi32, #tpu.memory_space<vmem>>) semaphore(%arg8 : memref<!tpu.dma_semaphore, #tpu.memory_space<semaphore_mem>>)
    %dma_wait3A_47 = arith.constant 240 : i32
    %dma_wait3A_48 = tpu.memref_slice %arg5[%dma_wait3A_47] : memref<1600xi32, #tpu.memory_space<vmem>> -> memref<80xi32, #tpu.memory_space<vmem>>
    %dma_wait3A_49 = arith.constant 0 : i32
    %dma_wait3A_50 = arith.constant 0 : i32
    %dma_wait3A_51 = tpu.memref_slice %arg2[%dma_wait3A_49, %dma_wait3A_50] : memref<100000x128xf32, #tpu.memory_space<hbm>> -> memref<100000x128xf32, #tpu.memory_space<hbm>>
    tpu.wait_indirect_dma semaphore(%arg9 : memref<!tpu.dma_semaphore, #tpu.memory_space<semaphore_mem>>) src(%dma_wait3A_51 : memref<100000x128xf32, #tpu.memory_space<hbm>>) dst(%arg7 : memref<80x128xf32, #tpu.memory_space<vmem>>)
    %add3A_52 = arith.constant 240 : i32
    %add3A_53 = arith.addi %mul3A_2, %add3A_52 : i32
    "tpu.region"() ({
      %run_scoped3A = tpu.sem_alloc : memref<!tpu.dma_semaphore, #tpu.memory_space<semaphore_mem>>
      %dma_start3A_241 = arith.constant 0 : i32
      %dma_start3A_242 = tpu.memref_slice %arg4[%add3A_53, %dma_start3A_241] : memref<51200x128xf32, #tpu.memory_space<hbm>> -> memref<80x128xf32, #tpu.memory_space<hbm>>
      %dma_start3A_243 = arith.constant 0 : i32
      %dma_start3A_244 = tpu.memref_slice %arg4[%add3A_53, %dma_start3A_243] : memref<51200x128xf32, #tpu.memory_space<hbm>> -> memref<80x128xf32, #tpu.memory_space<hbm>>
      tpu.enqueue_dma source(%arg7 : memref<80x128xf32, #tpu.memory_space<vmem>>) target(%dma_start3A_244 : memref<80x128xf32, #tpu.memory_space<hbm>>) target_semaphore(%run_scoped3A : memref<!tpu.dma_semaphore, #tpu.memory_space<semaphore_mem>>)
      %dma_wait3A_245 = arith.constant 0 : i32
      %dma_wait3A_246 = tpu.memref_slice %arg4[%add3A_53, %dma_wait3A_245] : memref<51200x128xf32, #tpu.memory_space<hbm>> -> memref<80x128xf32, #tpu.memory_space<hbm>>
      %dma_wait3A_247 = arith.constant 0 : i32
      %dma_wait3A_248 = tpu.memref_slice %arg4[%add3A_53, %dma_wait3A_247] : memref<51200x128xf32, #tpu.memory_space<hbm>> -> memref<80x128xf32, #tpu.memory_space<hbm>>
      tpu.wait_dma2 semaphore(%run_scoped3A : memref<!tpu.dma_semaphore, #tpu.memory_space<semaphore_mem>>) src(%arg7 : memref<80x128xf32, #tpu.memory_space<vmem>>) dst(%dma_wait3A_248 : memref<80x128xf32, #tpu.memory_space<hbm>>)
      tpu.yield
    }) : () -> ()
    %dma_start3A_54 = arith.constant 400 : i32
    %dma_start3A_55 = tpu.memref_slice %arg5[%dma_start3A_54] : memref<1600xi32, #tpu.memory_space<vmem>> -> memref<80xi32, #tpu.memory_space<vmem>>
    %dma_start3A_56 = arith.constant 0 : i32
    %dma_start3A_57 = arith.constant 0 : i32
    %dma_start3A_58 = tpu.memref_slice %arg2[%dma_start3A_56, %dma_start3A_57] : memref<100000x128xf32, #tpu.memory_space<hbm>> -> memref<100000x128xf32, #tpu.memory_space<hbm>>
    tpu.enqueue_indirect_dma source(%dma_start3A_58 : memref<100000x128xf32, #tpu.memory_space<hbm>>) target(%arg7 : memref<80x128xf32, #tpu.memory_space<vmem>>) offsets(%dma_start3A_55 : memref<80xi32, #tpu.memory_space<vmem>>) semaphore(%arg9 : memref<!tpu.dma_semaphore, #tpu.memory_space<semaphore_mem>>)
    %dma_wait3A_59 = arith.constant 320 : i32
    %dma_wait3A_60 = tpu.memref_slice %arg5[%dma_wait3A_59] : memref<1600xi32, #tpu.memory_space<vmem>> -> memref<80xi32, #tpu.memory_space<vmem>>
    %dma_wait3A_61 = arith.constant 0 : i32
    %dma_wait3A_62 = arith.constant 0 : i32
    %dma_wait3A_63 = tpu.memref_slice %arg2[%dma_wait3A_61, %dma_wait3A_62] : memref<100000x128xf32, #tpu.memory_space<hbm>> -> memref<100000x128xf32, #tpu.memory_space<hbm>>
    tpu.wait_indirect_dma semaphore(%arg8 : memref<!tpu.dma_semaphore, #tpu.memory_space<semaphore_mem>>) src(%dma_wait3A_63 : memref<100000x128xf32, #tpu.memory_space<hbm>>) dst(%arg6 : memref<80x128xf32, #tpu.memory_space<vmem>>)
    %add3A_64 = arith.constant 320 : i32
    %add3A_65 = arith.addi %mul3A_2, %add3A_64 : i32
    "tpu.region"() ({
      %run_scoped3A = tpu.sem_alloc : memref<!tpu.dma_semaphore, #tpu.memory_space<semaphore_mem>>
      %dma_start3A_241 = arith.constant 0 : i32
      %dma_start3A_242 = tpu.memref_slice %arg4[%add3A_65, %dma_start3A_241] : memref<51200x128xf32, #tpu.memory_space<hbm>> -> memref<80x128xf32, #tpu.memory_space<hbm>>
      %dma_start3A_243 = arith.constant 0 : i32
      %dma_start3A_244 = tpu.memref_slice %arg4[%add3A_65, %dma_start3A_243] : memref<51200x128xf32, #tpu.memory_space<hbm>> -> memref<80x128xf32, #tpu.memory_space<hbm>>
      tpu.enqueue_dma source(%arg6 : memref<80x128xf32, #tpu.memory_space<vmem>>) target(%dma_start3A_244 : memref<80x128xf32, #tpu.memory_space<hbm>>) target_semaphore(%run_scoped3A : memref<!tpu.dma_semaphore, #tpu.memory_space<semaphore_mem>>)
      %dma_wait3A_245 = arith.constant 0 : i32
      %dma_wait3A_246 = tpu.memref_slice %arg4[%add3A_65, %dma_wait3A_245] : memref<51200x128xf32, #tpu.memory_space<hbm>> -> memref<80x128xf32, #tpu.memory_space<hbm>>
      %dma_wait3A_247 = arith.constant 0 : i32
      %dma_wait3A_248 = tpu.memref_slice %arg4[%add3A_65, %dma_wait3A_247] : memref<51200x128xf32, #tpu.memory_space<hbm>> -> memref<80x128xf32, #tpu.memory_space<hbm>>
      tpu.wait_dma2 semaphore(%run_scoped3A : memref<!tpu.dma_semaphore, #tpu.memory_space<semaphore_mem>>) src(%arg6 : memref<80x128xf32, #tpu.memory_space<vmem>>) dst(%dma_wait3A_248 : memref<80x128xf32, #tpu.memory_space<hbm>>)
      tpu.yield
    }) : () -> ()
    %dma_start3A_66 = arith.constant 480 : i32
    %dma_start3A_67 = tpu.memref_slice %arg5[%dma_start3A_66] : memref<1600xi32, #tpu.memory_space<vmem>> -> memref<80xi32, #tpu.memory_space<vmem>>
    %dma_start3A_68 = arith.constant 0 : i32
    %dma_start3A_69 = arith.constant 0 : i32
    %dma_start3A_70 = tpu.memref_slice %arg2[%dma_start3A_68, %dma_start3A_69] : memref<100000x128xf32, #tpu.memory_space<hbm>> -> memref<100000x128xf32, #tpu.memory_space<hbm>>
    tpu.enqueue_indirect_dma source(%dma_start3A_70 : memref<100000x128xf32, #tpu.memory_space<hbm>>) target(%arg6 : memref<80x128xf32, #tpu.memory_space<vmem>>) offsets(%dma_start3A_67 : memref<80xi32, #tpu.memory_space<vmem>>) semaphore(%arg8 : memref<!tpu.dma_semaphore, #tpu.memory_space<semaphore_mem>>)
    %dma_wait3A_71 = arith.constant 400 : i32
    %dma_wait3A_72 = tpu.memref_slice %arg5[%dma_wait3A_71] : memref<1600xi32, #tpu.memory_space<vmem>> -> memref<80xi32, #tpu.memory_space<vmem>>
    %dma_wait3A_73 = arith.constant 0 : i32
    %dma_wait3A_74 = arith.constant 0 : i32
    %dma_wait3A_75 = tpu.memref_slice %arg2[%dma_wait3A_73, %dma_wait3A_74] : memref<100000x128xf32, #tpu.memory_space<hbm>> -> memref<100000x128xf32, #tpu.memory_space<hbm>>
    tpu.wait_indirect_dma semaphore(%arg9 : memref<!tpu.dma_semaphore, #tpu.memory_space<semaphore_mem>>) src(%dma_wait3A_75 : memref<100000x128xf32, #tpu.memory_space<hbm>>) dst(%arg7 : memref<80x128xf32, #tpu.memory_space<vmem>>)
    %add3A_76 = arith.constant 400 : i32
    %add3A_77 = arith.addi %mul3A_2, %add3A_76 : i32
    "tpu.region"() ({
      %run_scoped3A = tpu.sem_alloc : memref<!tpu.dma_semaphore, #tpu.memory_space<semaphore_mem>>
      %dma_start3A_241 = arith.constant 0 : i32
      %dma_start3A_242 = tpu.memref_slice %arg4[%add3A_77, %dma_start3A_241] : memref<51200x128xf32, #tpu.memory_space<hbm>> -> memref<80x128xf32, #tpu.memory_space<hbm>>
      %dma_start3A_243 = arith.constant 0 : i32
      %dma_start3A_244 = tpu.memref_slice %arg4[%add3A_77, %dma_start3A_243] : memref<51200x128xf32, #tpu.memory_space<hbm>> -> memref<80x128xf32, #tpu.memory_space<hbm>>
      tpu.enqueue_dma source(%arg7 : memref<80x128xf32, #tpu.memory_space<vmem>>) target(%dma_start3A_244 : memref<80x128xf32, #tpu.memory_space<hbm>>) target_semaphore(%run_scoped3A : memref<!tpu.dma_semaphore, #tpu.memory_space<semaphore_mem>>)
      %dma_wait3A_245 = arith.constant 0 : i32
      %dma_wait3A_246 = tpu.memref_slice %arg4[%add3A_77, %dma_wait3A_245] : memref<51200x128xf32, #tpu.memory_space<hbm>> -> memref<80x128xf32, #tpu.memory_space<hbm>>
      %dma_wait3A_247 = arith.constant 0 : i32
      %dma_wait3A_248 = tpu.memref_slice %arg4[%add3A_77, %dma_wait3A_247] : memref<51200x128xf32, #tpu.memory_space<hbm>> -> memref<80x128xf32, #tpu.memory_space<hbm>>
      tpu.wait_dma2 semaphore(%run_scoped3A : memref<!tpu.dma_semaphore, #tpu.memory_space<semaphore_mem>>) src(%arg7 : memref<80x128xf32, #tpu.memory_space<vmem>>) dst(%dma_wait3A_248 : memref<80x128xf32, #tpu.memory_space<hbm>>)
      tpu.yield
    }) : () -> ()
    %dma_start3A_78 = arith.constant 560 : i32
    %dma_start3A_79 = tpu.memref_slice %arg5[%dma_start3A_78] : memref<1600xi32, #tpu.memory_space<vmem>> -> memref<80xi32, #tpu.memory_space<vmem>>
    %dma_start3A_80 = arith.constant 0 : i32
    %dma_start3A_81 = arith.constant 0 : i32
    %dma_start3A_82 = tpu.memref_slice %arg2[%dma_start3A_80, %dma_start3A_81] : memref<100000x128xf32, #tpu.memory_space<hbm>> -> memref<100000x128xf32, #tpu.memory_space<hbm>>
    tpu.enqueue_indirect_dma source(%dma_start3A_82 : memref<100000x128xf32, #tpu.memory_space<hbm>>) target(%arg7 : memref<80x128xf32, #tpu.memory_space<vmem>>) offsets(%dma_start3A_79 : memref<80xi32, #tpu.memory_space<vmem>>) semaphore(%arg9 : memref<!tpu.dma_semaphore, #tpu.memory_space<semaphore_mem>>)
    %dma_wait3A_83 = arith.constant 480 : i32
    %dma_wait3A_84 = tpu.memref_slice %arg5[%dma_wait3A_83] : memref<1600xi32, #tpu.memory_space<vmem>> -> memref<80xi32, #tpu.memory_space<vmem>>
    %dma_wait3A_85 = arith.constant 0 : i32
    %dma_wait3A_86 = arith.constant 0 : i32
    %dma_wait3A_87 = tpu.memref_slice %arg2[%dma_wait3A_85, %dma_wait3A_86] : memref<100000x128xf32, #tpu.memory_space<hbm>> -> memref<100000x128xf32, #tpu.memory_space<hbm>>
    tpu.wait_indirect_dma semaphore(%arg8 : memref<!tpu.dma_semaphore, #tpu.memory_space<semaphore_mem>>) src(%dma_wait3A_87 : memref<100000x128xf32, #tpu.memory_space<hbm>>) dst(%arg6 : memref<80x128xf32, #tpu.memory_space<vmem>>)
    %add3A_88 = arith.constant 480 : i32
    %add3A_89 = arith.addi %mul3A_2, %add3A_88 : i32
    "tpu.region"() ({
      %run_scoped3A = tpu.sem_alloc : memref<!tpu.dma_semaphore, #tpu.memory_space<semaphore_mem>>
      %dma_start3A_241 = arith.constant 0 : i32
      %dma_start3A_242 = tpu.memref_slice %arg4[%add3A_89, %dma_start3A_241] : memref<51200x128xf32, #tpu.memory_space<hbm>> -> memref<80x128xf32, #tpu.memory_space<hbm>>
      %dma_start3A_243 = arith.constant 0 : i32
      %dma_start3A_244 = tpu.memref_slice %arg4[%add3A_89, %dma_start3A_243] : memref<51200x128xf32, #tpu.memory_space<hbm>> -> memref<80x128xf32, #tpu.memory_space<hbm>>
      tpu.enqueue_dma source(%arg6 : memref<80x128xf32, #tpu.memory_space<vmem>>) target(%dma_start3A_244 : memref<80x128xf32, #tpu.memory_space<hbm>>) target_semaphore(%run_scoped3A : memref<!tpu.dma_semaphore, #tpu.memory_space<semaphore_mem>>)
      %dma_wait3A_245 = arith.constant 0 : i32
      %dma_wait3A_246 = tpu.memref_slice %arg4[%add3A_89, %dma_wait3A_245] : memref<51200x128xf32, #tpu.memory_space<hbm>> -> memref<80x128xf32, #tpu.memory_space<hbm>>
      %dma_wait3A_247 = arith.constant 0 : i32
      %dma_wait3A_248 = tpu.memref_slice %arg4[%add3A_89, %dma_wait3A_247] : memref<51200x128xf32, #tpu.memory_space<hbm>> -> memref<80x128xf32, #tpu.memory_space<hbm>>
      tpu.wait_dma2 semaphore(%run_scoped3A : memref<!tpu.dma_semaphore, #tpu.memory_space<semaphore_mem>>) src(%arg6 : memref<80x128xf32, #tpu.memory_space<vmem>>) dst(%dma_wait3A_248 : memref<80x128xf32, #tpu.memory_space<hbm>>)
      tpu.yield
    }) : () -> ()
    %dma_start3A_90 = arith.constant 640 : i32
    %dma_start3A_91 = tpu.memref_slice %arg5[%dma_start3A_90] : memref<1600xi32, #tpu.memory_space<vmem>> -> memref<80xi32, #tpu.memory_space<vmem>>
    %dma_start3A_92 = arith.constant 0 : i32
    %dma_start3A_93 = arith.constant 0 : i32
    %dma_start3A_94 = tpu.memref_slice %arg2[%dma_start3A_92, %dma_start3A_93] : memref<100000x128xf32, #tpu.memory_space<hbm>> -> memref<100000x128xf32, #tpu.memory_space<hbm>>
    tpu.enqueue_indirect_dma source(%dma_start3A_94 : memref<100000x128xf32, #tpu.memory_space<hbm>>) target(%arg6 : memref<80x128xf32, #tpu.memory_space<vmem>>) offsets(%dma_start3A_91 : memref<80xi32, #tpu.memory_space<vmem>>) semaphore(%arg8 : memref<!tpu.dma_semaphore, #tpu.memory_space<semaphore_mem>>)
    %dma_wait3A_95 = arith.constant 560 : i32
    %dma_wait3A_96 = tpu.memref_slice %arg5[%dma_wait3A_95] : memref<1600xi32, #tpu.memory_space<vmem>> -> memref<80xi32, #tpu.memory_space<vmem>>
    %dma_wait3A_97 = arith.constant 0 : i32
    %dma_wait3A_98 = arith.constant 0 : i32
    %dma_wait3A_99 = tpu.memref_slice %arg2[%dma_wait3A_97, %dma_wait3A_98] : memref<100000x128xf32, #tpu.memory_space<hbm>> -> memref<100000x128xf32, #tpu.memory_space<hbm>>
    tpu.wait_indirect_dma semaphore(%arg9 : memref<!tpu.dma_semaphore, #tpu.memory_space<semaphore_mem>>) src(%dma_wait3A_99 : memref<100000x128xf32, #tpu.memory_space<hbm>>) dst(%arg7 : memref<80x128xf32, #tpu.memory_space<vmem>>)
    %add3A_100 = arith.constant 560 : i32
    %add3A_101 = arith.addi %mul3A_2, %add3A_100 : i32
    "tpu.region"() ({
      %run_scoped3A = tpu.sem_alloc : memref<!tpu.dma_semaphore, #tpu.memory_space<semaphore_mem>>
      %dma_start3A_241 = arith.constant 0 : i32
      %dma_start3A_242 = tpu.memref_slice %arg4[%add3A_101, %dma_start3A_241] : memref<51200x128xf32, #tpu.memory_space<hbm>> -> memref<80x128xf32, #tpu.memory_space<hbm>>
      %dma_start3A_243 = arith.constant 0 : i32
      %dma_start3A_244 = tpu.memref_slice %arg4[%add3A_101, %dma_start3A_243] : memref<51200x128xf32, #tpu.memory_space<hbm>> -> memref<80x128xf32, #tpu.memory_space<hbm>>
      tpu.enqueue_dma source(%arg7 : memref<80x128xf32, #tpu.memory_space<vmem>>) target(%dma_start3A_244 : memref<80x128xf32, #tpu.memory_space<hbm>>) target_semaphore(%run_scoped3A : memref<!tpu.dma_semaphore, #tpu.memory_space<semaphore_mem>>)
      %dma_wait3A_245 = arith.constant 0 : i32
      %dma_wait3A_246 = tpu.memref_slice %arg4[%add3A_101, %dma_wait3A_245] : memref<51200x128xf32, #tpu.memory_space<hbm>> -> memref<80x128xf32, #tpu.memory_space<hbm>>
      %dma_wait3A_247 = arith.constant 0 : i32
      %dma_wait3A_248 = tpu.memref_slice %arg4[%add3A_101, %dma_wait3A_247] : memref<51200x128xf32, #tpu.memory_space<hbm>> -> memref<80x128xf32, #tpu.memory_space<hbm>>
      tpu.wait_dma2 semaphore(%run_scoped3A : memref<!tpu.dma_semaphore, #tpu.memory_space<semaphore_mem>>) src(%arg7 : memref<80x128xf32, #tpu.memory_space<vmem>>) dst(%dma_wait3A_248 : memref<80x128xf32, #tpu.memory_space<hbm>>)
      tpu.yield
    }) : () -> ()
    %dma_start3A_102 = arith.constant 720 : i32
    %dma_start3A_103 = tpu.memref_slice %arg5[%dma_start3A_102] : memref<1600xi32, #tpu.memory_space<vmem>> -> memref<80xi32, #tpu.memory_space<vmem>>
    %dma_start3A_104 = arith.constant 0 : i32
    %dma_start3A_105 = arith.constant 0 : i32
    %dma_start3A_106 = tpu.memref_slice %arg2[%dma_start3A_104, %dma_start3A_105] : memref<100000x128xf32, #tpu.memory_space<hbm>> -> memref<100000x128xf32, #tpu.memory_space<hbm>>
    tpu.enqueue_indirect_dma source(%dma_start3A_106 : memref<100000x128xf32, #tpu.memory_space<hbm>>) target(%arg7 : memref<80x128xf32, #tpu.memory_space<vmem>>) offsets(%dma_start3A_103 : memref<80xi32, #tpu.memory_space<vmem>>) semaphore(%arg9 : memref<!tpu.dma_semaphore, #tpu.memory_space<semaphore_mem>>)
    %dma_wait3A_107 = arith.constant 640 : i32
    %dma_wait3A_108 = tpu.memref_slice %arg5[%dma_wait3A_107] : memref<1600xi32, #tpu.memory_space<vmem>> -> memref<80xi32, #tpu.memory_space<vmem>>
    %dma_wait3A_109 = arith.constant 0 : i32
    %dma_wait3A_110 = arith.constant 0 : i32
    %dma_wait3A_111 = tpu.memref_slice %arg2[%dma_wait3A_109, %dma_wait3A_110] : memref<100000x128xf32, #tpu.memory_space<hbm>> -> memref<100000x128xf32, #tpu.memory_space<hbm>>
    tpu.wait_indirect_dma semaphore(%arg8 : memref<!tpu.dma_semaphore, #tpu.memory_space<semaphore_mem>>) src(%dma_wait3A_111 : memref<100000x128xf32, #tpu.memory_space<hbm>>) dst(%arg6 : memref<80x128xf32, #tpu.memory_space<vmem>>)
    %add3A_112 = arith.constant 640 : i32
    %add3A_113 = arith.addi %mul3A_2, %add3A_112 : i32
    "tpu.region"() ({
      %run_scoped3A = tpu.sem_alloc : memref<!tpu.dma_semaphore, #tpu.memory_space<semaphore_mem>>
      %dma_start3A_241 = arith.constant 0 : i32
      %dma_start3A_242 = tpu.memref_slice %arg4[%add3A_113, %dma_start3A_241] : memref<51200x128xf32, #tpu.memory_space<hbm>> -> memref<80x128xf32, #tpu.memory_space<hbm>>
      %dma_start3A_243 = arith.constant 0 : i32
      %dma_start3A_244 = tpu.memref_slice %arg4[%add3A_113, %dma_start3A_243] : memref<51200x128xf32, #tpu.memory_space<hbm>> -> memref<80x128xf32, #tpu.memory_space<hbm>>
      tpu.enqueue_dma source(%arg6 : memref<80x128xf32, #tpu.memory_space<vmem>>) target(%dma_start3A_244 : memref<80x128xf32, #tpu.memory_space<hbm>>) target_semaphore(%run_scoped3A : memref<!tpu.dma_semaphore, #tpu.memory_space<semaphore_mem>>)
      %dma_wait3A_245 = arith.constant 0 : i32
      %dma_wait3A_246 = tpu.memref_slice %arg4[%add3A_113, %dma_wait3A_245] : memref<51200x128xf32, #tpu.memory_space<hbm>> -> memref<80x128xf32, #tpu.memory_space<hbm>>
      %dma_wait3A_247 = arith.constant 0 : i32
      %dma_wait3A_248 = tpu.memref_slice %arg4[%add3A_113, %dma_wait3A_247] : memref<51200x128xf32, #tpu.memory_space<hbm>> -> memref<80x128xf32, #tpu.memory_space<hbm>>
      tpu.wait_dma2 semaphore(%run_scoped3A : memref<!tpu.dma_semaphore, #tpu.memory_space<semaphore_mem>>) src(%arg6 : memref<80x128xf32, #tpu.memory_space<vmem>>) dst(%dma_wait3A_248 : memref<80x128xf32, #tpu.memory_space<hbm>>)
      tpu.yield
    }) : () -> ()
    %dma_start3A_114 = arith.constant 800 : i32
    %dma_start3A_115 = tpu.memref_slice %arg5[%dma_start3A_114] : memref<1600xi32, #tpu.memory_space<vmem>> -> memref<80xi32, #tpu.memory_space<vmem>>
    %dma_start3A_116 = arith.constant 0 : i32
    %dma_start3A_117 = arith.constant 0 : i32
    %dma_start3A_118 = tpu.memref_slice %arg2[%dma_start3A_116, %dma_start3A_117] : memref<100000x128xf32, #tpu.memory_space<hbm>> -> memref<100000x128xf32, #tpu.memory_space<hbm>>
    tpu.enqueue_indirect_dma source(%dma_start3A_118 : memref<100000x128xf32, #tpu.memory_space<hbm>>) target(%arg6 : memref<80x128xf32, #tpu.memory_space<vmem>>) offsets(%dma_start3A_115 : memref<80xi32, #tpu.memory_space<vmem>>) semaphore(%arg8 : memref<!tpu.dma_semaphore, #tpu.memory_space<semaphore_mem>>)
    %dma_wait3A_119 = arith.constant 720 : i32
    %dma_wait3A_120 = tpu.memref_slice %arg5[%dma_wait3A_119] : memref<1600xi32, #tpu.memory_space<vmem>> -> memref<80xi32, #tpu.memory_space<vmem>>
    %dma_wait3A_121 = arith.constant 0 : i32
    %dma_wait3A_122 = arith.constant 0 : i32
    %dma_wait3A_123 = tpu.memref_slice %arg2[%dma_wait3A_121, %dma_wait3A_122] : memref<100000x128xf32, #tpu.memory_space<hbm>> -> memref<100000x128xf32, #tpu.memory_space<hbm>>
    tpu.wait_indirect_dma semaphore(%arg9 : memref<!tpu.dma_semaphore, #tpu.memory_space<semaphore_mem>>) src(%dma_wait3A_123 : memref<100000x128xf32, #tpu.memory_space<hbm>>) dst(%arg7 : memref<80x128xf32, #tpu.memory_space<vmem>>)
    %add3A_124 = arith.constant 720 : i32
    %add3A_125 = arith.addi %mul3A_2, %add3A_124 : i32
    "tpu.region"() ({
      %run_scoped3A = tpu.sem_alloc : memref<!tpu.dma_semaphore, #tpu.memory_space<semaphore_mem>>
      %dma_start3A_241 = arith.constant 0 : i32
      %dma_start3A_242 = tpu.memref_slice %arg4[%add3A_125, %dma_start3A_241] : memref<51200x128xf32, #tpu.memory_space<hbm>> -> memref<80x128xf32, #tpu.memory_space<hbm>>
      %dma_start3A_243 = arith.constant 0 : i32
      %dma_start3A_244 = tpu.memref_slice %arg4[%add3A_125, %dma_start3A_243] : memref<51200x128xf32, #tpu.memory_space<hbm>> -> memref<80x128xf32, #tpu.memory_space<hbm>>
      tpu.enqueue_dma source(%arg7 : memref<80x128xf32, #tpu.memory_space<vmem>>) target(%dma_start3A_244 : memref<80x128xf32, #tpu.memory_space<hbm>>) target_semaphore(%run_scoped3A : memref<!tpu.dma_semaphore, #tpu.memory_space<semaphore_mem>>)
      %dma_wait3A_245 = arith.constant 0 : i32
      %dma_wait3A_246 = tpu.memref_slice %arg4[%add3A_125, %dma_wait3A_245] : memref<51200x128xf32, #tpu.memory_space<hbm>> -> memref<80x128xf32, #tpu.memory_space<hbm>>
      %dma_wait3A_247 = arith.constant 0 : i32
      %dma_wait3A_248 = tpu.memref_slice %arg4[%add3A_125, %dma_wait3A_247] : memref<51200x128xf32, #tpu.memory_space<hbm>> -> memref<80x128xf32, #tpu.memory_space<hbm>>
      tpu.wait_dma2 semaphore(%run_scoped3A : memref<!tpu.dma_semaphore, #tpu.memory_space<semaphore_mem>>) src(%arg7 : memref<80x128xf32, #tpu.memory_space<vmem>>) dst(%dma_wait3A_248 : memref<80x128xf32, #tpu.memory_space<hbm>>)
      tpu.yield
    }) : () -> ()
    %dma_start3A_126 = arith.constant 880 : i32
    %dma_start3A_127 = tpu.memref_slice %arg5[%dma_start3A_126] : memref<1600xi32, #tpu.memory_space<vmem>> -> memref<80xi32, #tpu.memory_space<vmem>>
    %dma_start3A_128 = arith.constant 0 : i32
    %dma_start3A_129 = arith.constant 0 : i32
    %dma_start3A_130 = tpu.memref_slice %arg2[%dma_start3A_128, %dma_start3A_129] : memref<100000x128xf32, #tpu.memory_space<hbm>> -> memref<100000x128xf32, #tpu.memory_space<hbm>>
    tpu.enqueue_indirect_dma source(%dma_start3A_130 : memref<100000x128xf32, #tpu.memory_space<hbm>>) target(%arg7 : memref<80x128xf32, #tpu.memory_space<vmem>>) offsets(%dma_start3A_127 : memref<80xi32, #tpu.memory_space<vmem>>) semaphore(%arg9 : memref<!tpu.dma_semaphore, #tpu.memory_space<semaphore_mem>>)
    %dma_wait3A_131 = arith.constant 800 : i32
    %dma_wait3A_132 = tpu.memref_slice %arg5[%dma_wait3A_131] : memref<1600xi32, #tpu.memory_space<vmem>> -> memref<80xi32, #tpu.memory_space<vmem>>
    %dma_wait3A_133 = arith.constant 0 : i32
    %dma_wait3A_134 = arith.constant 0 : i32
    %dma_wait3A_135 = tpu.memref_slice %arg2[%dma_wait3A_133, %dma_wait3A_134] : memref<100000x128xf32, #tpu.memory_space<hbm>> -> memref<100000x128xf32, #tpu.memory_space<hbm>>
    tpu.wait_indirect_dma semaphore(%arg8 : memref<!tpu.dma_semaphore, #tpu.memory_space<semaphore_mem>>) src(%dma_wait3A_135 : memref<100000x128xf32, #tpu.memory_space<hbm>>) dst(%arg6 : memref<80x128xf32, #tpu.memory_space<vmem>>)
    %add3A_136 = arith.constant 800 : i32
    %add3A_137 = arith.addi %mul3A_2, %add3A_136 : i32
    "tpu.region"() ({
      %run_scoped3A = tpu.sem_alloc : memref<!tpu.dma_semaphore, #tpu.memory_space<semaphore_mem>>
      %dma_start3A_241 = arith.constant 0 : i32
      %dma_start3A_242 = tpu.memref_slice %arg4[%add3A_137, %dma_start3A_241] : memref<51200x128xf32, #tpu.memory_space<hbm>> -> memref<80x128xf32, #tpu.memory_space<hbm>>
      %dma_start3A_243 = arith.constant 0 : i32
      %dma_start3A_244 = tpu.memref_slice %arg4[%add3A_137, %dma_start3A_243] : memref<51200x128xf32, #tpu.memory_space<hbm>> -> memref<80x128xf32, #tpu.memory_space<hbm>>
      tpu.enqueue_dma source(%arg6 : memref<80x128xf32, #tpu.memory_space<vmem>>) target(%dma_start3A_244 : memref<80x128xf32, #tpu.memory_space<hbm>>) target_semaphore(%run_scoped3A : memref<!tpu.dma_semaphore, #tpu.memory_space<semaphore_mem>>)
      %dma_wait3A_245 = arith.constant 0 : i32
      %dma_wait3A_246 = tpu.memref_slice %arg4[%add3A_137, %dma_wait3A_245] : memref<51200x128xf32, #tpu.memory_space<hbm>> -> memref<80x128xf32, #tpu.memory_space<hbm>>
      %dma_wait3A_247 = arith.constant 0 : i32
      %dma_wait3A_248 = tpu.memref_slice %arg4[%add3A_137, %dma_wait3A_247] : memref<51200x128xf32, #tpu.memory_space<hbm>> -> memref<80x128xf32, #tpu.memory_space<hbm>>
      tpu.wait_dma2 semaphore(%run_scoped3A : memref<!tpu.dma_semaphore, #tpu.memory_space<semaphore_mem>>) src(%arg6 : memref<80x128xf32, #tpu.memory_space<vmem>>) dst(%dma_wait3A_248 : memref<80x128xf32, #tpu.memory_space<hbm>>)
      tpu.yield
    }) : () -> ()
    %dma_start3A_138 = arith.constant 960 : i32
    %dma_start3A_139 = tpu.memref_slice %arg5[%dma_start3A_138] : memref<1600xi32, #tpu.memory_space<vmem>> -> memref<80xi32, #tpu.memory_space<vmem>>
    %dma_start3A_140 = arith.constant 0 : i32
    %dma_start3A_141 = arith.constant 0 : i32
    %dma_start3A_142 = tpu.memref_slice %arg2[%dma_start3A_140, %dma_start3A_141] : memref<100000x128xf32, #tpu.memory_space<hbm>> -> memref<100000x128xf32, #tpu.memory_space<hbm>>
    tpu.enqueue_indirect_dma source(%dma_start3A_142 : memref<100000x128xf32, #tpu.memory_space<hbm>>) target(%arg6 : memref<80x128xf32, #tpu.memory_space<vmem>>) offsets(%dma_start3A_139 : memref<80xi32, #tpu.memory_space<vmem>>) semaphore(%arg8 : memref<!tpu.dma_semaphore, #tpu.memory_space<semaphore_mem>>)
    %dma_wait3A_143 = arith.constant 880 : i32
    %dma_wait3A_144 = tpu.memref_slice %arg5[%dma_wait3A_143] : memref<1600xi32, #tpu.memory_space<vmem>> -> memref<80xi32, #tpu.memory_space<vmem>>
    %dma_wait3A_145 = arith.constant 0 : i32
    %dma_wait3A_146 = arith.constant 0 : i32
    %dma_wait3A_147 = tpu.memref_slice %arg2[%dma_wait3A_145, %dma_wait3A_146] : memref<100000x128xf32, #tpu.memory_space<hbm>> -> memref<100000x128xf32, #tpu.memory_space<hbm>>
    tpu.wait_indirect_dma semaphore(%arg9 : memref<!tpu.dma_semaphore, #tpu.memory_space<semaphore_mem>>) src(%dma_wait3A_147 : memref<100000x128xf32, #tpu.memory_space<hbm>>) dst(%arg7 : memref<80x128xf32, #tpu.memory_space<vmem>>)
    %add3A_148 = arith.constant 880 : i32
    %add3A_149 = arith.addi %mul3A_2, %add3A_148 : i32
    "tpu.region"() ({
      %run_scoped3A = tpu.sem_alloc : memref<!tpu.dma_semaphore, #tpu.memory_space<semaphore_mem>>
      %dma_start3A_241 = arith.constant 0 : i32
      %dma_start3A_242 = tpu.memref_slice %arg4[%add3A_149, %dma_start3A_241] : memref<51200x128xf32, #tpu.memory_space<hbm>> -> memref<80x128xf32, #tpu.memory_space<hbm>>
      %dma_start3A_243 = arith.constant 0 : i32
      %dma_start3A_244 = tpu.memref_slice %arg4[%add3A_149, %dma_start3A_243] : memref<51200x128xf32, #tpu.memory_space<hbm>> -> memref<80x128xf32, #tpu.memory_space<hbm>>
      tpu.enqueue_dma source(%arg7 : memref<80x128xf32, #tpu.memory_space<vmem>>) target(%dma_start3A_244 : memref<80x128xf32, #tpu.memory_space<hbm>>) target_semaphore(%run_scoped3A : memref<!tpu.dma_semaphore, #tpu.memory_space<semaphore_mem>>)
      %dma_wait3A_245 = arith.constant 0 : i32
      %dma_wait3A_246 = tpu.memref_slice %arg4[%add3A_149, %dma_wait3A_245] : memref<51200x128xf32, #tpu.memory_space<hbm>> -> memref<80x128xf32, #tpu.memory_space<hbm>>
      %dma_wait3A_247 = arith.constant 0 : i32
      %dma_wait3A_248 = tpu.memref_slice %arg4[%add3A_149, %dma_wait3A_247] : memref<51200x128xf32, #tpu.memory_space<hbm>> -> memref<80x128xf32, #tpu.memory_space<hbm>>
      tpu.wait_dma2 semaphore(%run_scoped3A : memref<!tpu.dma_semaphore, #tpu.memory_space<semaphore_mem>>) src(%arg7 : memref<80x128xf32, #tpu.memory_space<vmem>>) dst(%dma_wait3A_248 : memref<80x128xf32, #tpu.memory_space<hbm>>)
      tpu.yield
    }) : () -> ()
    %dma_start3A_150 = arith.constant 1040 : i32
    %dma_start3A_151 = tpu.memref_slice %arg5[%dma_start3A_150] : memref<1600xi32, #tpu.memory_space<vmem>> -> memref<80xi32, #tpu.memory_space<vmem>>
    %dma_start3A_152 = arith.constant 0 : i32
    %dma_start3A_153 = arith.constant 0 : i32
    %dma_start3A_154 = tpu.memref_slice %arg2[%dma_start3A_152, %dma_start3A_153] : memref<100000x128xf32, #tpu.memory_space<hbm>> -> memref<100000x128xf32, #tpu.memory_space<hbm>>
    tpu.enqueue_indirect_dma source(%dma_start3A_154 : memref<100000x128xf32, #tpu.memory_space<hbm>>) target(%arg7 : memref<80x128xf32, #tpu.memory_space<vmem>>) offsets(%dma_start3A_151 : memref<80xi32, #tpu.memory_space<vmem>>) semaphore(%arg9 : memref<!tpu.dma_semaphore, #tpu.memory_space<semaphore_mem>>)
    %dma_wait3A_155 = arith.constant 960 : i32
    %dma_wait3A_156 = tpu.memref_slice %arg5[%dma_wait3A_155] : memref<1600xi32, #tpu.memory_space<vmem>> -> memref<80xi32, #tpu.memory_space<vmem>>
    %dma_wait3A_157 = arith.constant 0 : i32
    %dma_wait3A_158 = arith.constant 0 : i32
    %dma_wait3A_159 = tpu.memref_slice %arg2[%dma_wait3A_157, %dma_wait3A_158] : memref<100000x128xf32, #tpu.memory_space<hbm>> -> memref<100000x128xf32, #tpu.memory_space<hbm>>
    tpu.wait_indirect_dma semaphore(%arg8 : memref<!tpu.dma_semaphore, #tpu.memory_space<semaphore_mem>>) src(%dma_wait3A_159 : memref<100000x128xf32, #tpu.memory_space<hbm>>) dst(%arg6 : memref<80x128xf32, #tpu.memory_space<vmem>>)
    %add3A_160 = arith.constant 960 : i32
    %add3A_161 = arith.addi %mul3A_2, %add3A_160 : i32
    "tpu.region"() ({
      %run_scoped3A = tpu.sem_alloc : memref<!tpu.dma_semaphore, #tpu.memory_space<semaphore_mem>>
      %dma_start3A_241 = arith.constant 0 : i32
      %dma_start3A_242 = tpu.memref_slice %arg4[%add3A_161, %dma_start3A_241] : memref<51200x128xf32, #tpu.memory_space<hbm>> -> memref<80x128xf32, #tpu.memory_space<hbm>>
      %dma_start3A_243 = arith.constant 0 : i32
      %dma_start3A_244 = tpu.memref_slice %arg4[%add3A_161, %dma_start3A_243] : memref<51200x128xf32, #tpu.memory_space<hbm>> -> memref<80x128xf32, #tpu.memory_space<hbm>>
      tpu.enqueue_dma source(%arg6 : memref<80x128xf32, #tpu.memory_space<vmem>>) target(%dma_start3A_244 : memref<80x128xf32, #tpu.memory_space<hbm>>) target_semaphore(%run_scoped3A : memref<!tpu.dma_semaphore, #tpu.memory_space<semaphore_mem>>)
      %dma_wait3A_245 = arith.constant 0 : i32
      %dma_wait3A_246 = tpu.memref_slice %arg4[%add3A_161, %dma_wait3A_245] : memref<51200x128xf32, #tpu.memory_space<hbm>> -> memref<80x128xf32, #tpu.memory_space<hbm>>
      %dma_wait3A_247 = arith.constant 0 : i32
      %dma_wait3A_248 = tpu.memref_slice %arg4[%add3A_161, %dma_wait3A_247] : memref<51200x128xf32, #tpu.memory_space<hbm>> -> memref<80x128xf32, #tpu.memory_space<hbm>>
      tpu.wait_dma2 semaphore(%run_scoped3A : memref<!tpu.dma_semaphore, #tpu.memory_space<semaphore_mem>>) src(%arg6 : memref<80x128xf32, #tpu.memory_space<vmem>>) dst(%dma_wait3A_248 : memref<80x128xf32, #tpu.memory_space<hbm>>)
      tpu.yield
    }) : () -> ()
    %dma_start3A_162 = arith.constant 1120 : i32
    %dma_start3A_163 = tpu.memref_slice %arg5[%dma_start3A_162] : memref<1600xi32, #tpu.memory_space<vmem>> -> memref<80xi32, #tpu.memory_space<vmem>>
    %dma_start3A_164 = arith.constant 0 : i32
    %dma_start3A_165 = arith.constant 0 : i32
    %dma_start3A_166 = tpu.memref_slice %arg2[%dma_start3A_164, %dma_start3A_165] : memref<100000x128xf32, #tpu.memory_space<hbm>> -> memref<100000x128xf32, #tpu.memory_space<hbm>>
    tpu.enqueue_indirect_dma source(%dma_start3A_166 : memref<100000x128xf32, #tpu.memory_space<hbm>>) target(%arg6 : memref<80x128xf32, #tpu.memory_space<vmem>>) offsets(%dma_start3A_163 : memref<80xi32, #tpu.memory_space<vmem>>) semaphore(%arg8 : memref<!tpu.dma_semaphore, #tpu.memory_space<semaphore_mem>>)
    %dma_wait3A_167 = arith.constant 1040 : i32
    %dma_wait3A_168 = tpu.memref_slice %arg5[%dma_wait3A_167] : memref<1600xi32, #tpu.memory_space<vmem>> -> memref<80xi32, #tpu.memory_space<vmem>>
    %dma_wait3A_169 = arith.constant 0 : i32
    %dma_wait3A_170 = arith.constant 0 : i32
    %dma_wait3A_171 = tpu.memref_slice %arg2[%dma_wait3A_169, %dma_wait3A_170] : memref<100000x128xf32, #tpu.memory_space<hbm>> -> memref<100000x128xf32, #tpu.memory_space<hbm>>
    tpu.wait_indirect_dma semaphore(%arg9 : memref<!tpu.dma_semaphore, #tpu.memory_space<semaphore_mem>>) src(%dma_wait3A_171 : memref<100000x128xf32, #tpu.memory_space<hbm>>) dst(%arg7 : memref<80x128xf32, #tpu.memory_space<vmem>>)
    %add3A_172 = arith.constant 1040 : i32
    %add3A_173 = arith.addi %mul3A_2, %add3A_172 : i32
    "tpu.region"() ({
      %run_scoped3A = tpu.sem_alloc : memref<!tpu.dma_semaphore, #tpu.memory_space<semaphore_mem>>
      %dma_start3A_241 = arith.constant 0 : i32
      %dma_start3A_242 = tpu.memref_slice %arg4[%add3A_173, %dma_start3A_241] : memref<51200x128xf32, #tpu.memory_space<hbm>> -> memref<80x128xf32, #tpu.memory_space<hbm>>
      %dma_start3A_243 = arith.constant 0 : i32
      %dma_start3A_244 = tpu.memref_slice %arg4[%add3A_173, %dma_start3A_243] : memref<51200x128xf32, #tpu.memory_space<hbm>> -> memref<80x128xf32, #tpu.memory_space<hbm>>
      tpu.enqueue_dma source(%arg7 : memref<80x128xf32, #tpu.memory_space<vmem>>) target(%dma_start3A_244 : memref<80x128xf32, #tpu.memory_space<hbm>>) target_semaphore(%run_scoped3A : memref<!tpu.dma_semaphore, #tpu.memory_space<semaphore_mem>>)
      %dma_wait3A_245 = arith.constant 0 : i32
      %dma_wait3A_246 = tpu.memref_slice %arg4[%add3A_173, %dma_wait3A_245] : memref<51200x128xf32, #tpu.memory_space<hbm>> -> memref<80x128xf32, #tpu.memory_space<hbm>>
      %dma_wait3A_247 = arith.constant 0 : i32
      %dma_wait3A_248 = tpu.memref_slice %arg4[%add3A_173, %dma_wait3A_247] : memref<51200x128xf32, #tpu.memory_space<hbm>> -> memref<80x128xf32, #tpu.memory_space<hbm>>
      tpu.wait_dma2 semaphore(%run_scoped3A : memref<!tpu.dma_semaphore, #tpu.memory_space<semaphore_mem>>) src(%arg7 : memref<80x128xf32, #tpu.memory_space<vmem>>) dst(%dma_wait3A_248 : memref<80x128xf32, #tpu.memory_space<hbm>>)
      tpu.yield
    }) : () -> ()
    %dma_start3A_174 = arith.constant 1200 : i32
    %dma_start3A_175 = tpu.memref_slice %arg5[%dma_start3A_174] : memref<1600xi32, #tpu.memory_space<vmem>> -> memref<80xi32, #tpu.memory_space<vmem>>
    %dma_start3A_176 = arith.constant 0 : i32
    %dma_start3A_177 = arith.constant 0 : i32
    %dma_start3A_178 = tpu.memref_slice %arg2[%dma_start3A_176, %dma_start3A_177] : memref<100000x128xf32, #tpu.memory_space<hbm>> -> memref<100000x128xf32, #tpu.memory_space<hbm>>
    tpu.enqueue_indirect_dma source(%dma_start3A_178 : memref<100000x128xf32, #tpu.memory_space<hbm>>) target(%arg7 : memref<80x128xf32, #tpu.memory_space<vmem>>) offsets(%dma_start3A_175 : memref<80xi32, #tpu.memory_space<vmem>>) semaphore(%arg9 : memref<!tpu.dma_semaphore, #tpu.memory_space<semaphore_mem>>)
    %dma_wait3A_179 = arith.constant 1120 : i32
    %dma_wait3A_180 = tpu.memref_slice %arg5[%dma_wait3A_179] : memref<1600xi32, #tpu.memory_space<vmem>> -> memref<80xi32, #tpu.memory_space<vmem>>
    %dma_wait3A_181 = arith.constant 0 : i32
    %dma_wait3A_182 = arith.constant 0 : i32
    %dma_wait3A_183 = tpu.memref_slice %arg2[%dma_wait3A_181, %dma_wait3A_182] : memref<100000x128xf32, #tpu.memory_space<hbm>> -> memref<100000x128xf32, #tpu.memory_space<hbm>>
    tpu.wait_indirect_dma semaphore(%arg8 : memref<!tpu.dma_semaphore, #tpu.memory_space<semaphore_mem>>) src(%dma_wait3A_183 : memref<100000x128xf32, #tpu.memory_space<hbm>>) dst(%arg6 : memref<80x128xf32, #tpu.memory_space<vmem>>)
    %add3A_184 = arith.constant 1120 : i32
    %add3A_185 = arith.addi %mul3A_2, %add3A_184 : i32
    "tpu.region"() ({
      %run_scoped3A = tpu.sem_alloc : memref<!tpu.dma_semaphore, #tpu.memory_space<semaphore_mem>>
      %dma_start3A_241 = arith.constant 0 : i32
      %dma_start3A_242 = tpu.memref_slice %arg4[%add3A_185, %dma_start3A_241] : memref<51200x128xf32, #tpu.memory_space<hbm>> -> memref<80x128xf32, #tpu.memory_space<hbm>>
      %dma_start3A_243 = arith.constant 0 : i32
      %dma_start3A_244 = tpu.memref_slice %arg4[%add3A_185, %dma_start3A_243] : memref<51200x128xf32, #tpu.memory_space<hbm>> -> memref<80x128xf32, #tpu.memory_space<hbm>>
      tpu.enqueue_dma source(%arg6 : memref<80x128xf32, #tpu.memory_space<vmem>>) target(%dma_start3A_244 : memref<80x128xf32, #tpu.memory_space<hbm>>) target_semaphore(%run_scoped3A : memref<!tpu.dma_semaphore, #tpu.memory_space<semaphore_mem>>)
      %dma_wait3A_245 = arith.constant 0 : i32
      %dma_wait3A_246 = tpu.memref_slice %arg4[%add3A_185, %dma_wait3A_245] : memref<51200x128xf32, #tpu.memory_space<hbm>> -> memref<80x128xf32, #tpu.memory_space<hbm>>
      %dma_wait3A_247 = arith.constant 0 : i32
      %dma_wait3A_248 = tpu.memref_slice %arg4[%add3A_185, %dma_wait3A_247] : memref<51200x128xf32, #tpu.memory_space<hbm>> -> memref<80x128xf32, #tpu.memory_space<hbm>>
      tpu.wait_dma2 semaphore(%run_scoped3A : memref<!tpu.dma_semaphore, #tpu.memory_space<semaphore_mem>>) src(%arg6 : memref<80x128xf32, #tpu.memory_space<vmem>>) dst(%dma_wait3A_248 : memref<80x128xf32, #tpu.memory_space<hbm>>)
      tpu.yield
    }) : () -> ()
    %dma_start3A_186 = arith.constant 1280 : i32
    %dma_start3A_187 = tpu.memref_slice %arg5[%dma_start3A_186] : memref<1600xi32, #tpu.memory_space<vmem>> -> memref<80xi32, #tpu.memory_space<vmem>>
    %dma_start3A_188 = arith.constant 0 : i32
    %dma_start3A_189 = arith.constant 0 : i32
    %dma_start3A_190 = tpu.memref_slice %arg2[%dma_start3A_188, %dma_start3A_189] : memref<100000x128xf32, #tpu.memory_space<hbm>> -> memref<100000x128xf32, #tpu.memory_space<hbm>>
    tpu.enqueue_indirect_dma source(%dma_start3A_190 : memref<100000x128xf32, #tpu.memory_space<hbm>>) target(%arg6 : memref<80x128xf32, #tpu.memory_space<vmem>>) offsets(%dma_start3A_187 : memref<80xi32, #tpu.memory_space<vmem>>) semaphore(%arg8 : memref<!tpu.dma_semaphore, #tpu.memory_space<semaphore_mem>>)
    %dma_wait3A_191 = arith.constant 1200 : i32
    %dma_wait3A_192 = tpu.memref_slice %arg5[%dma_wait3A_191] : memref<1600xi32, #tpu.memory_space<vmem>> -> memref<80xi32, #tpu.memory_space<vmem>>
    %dma_wait3A_193 = arith.constant 0 : i32
    %dma_wait3A_194 = arith.constant 0 : i32
    %dma_wait3A_195 = tpu.memref_slice %arg2[%dma_wait3A_193, %dma_wait3A_194] : memref<100000x128xf32, #tpu.memory_space<hbm>> -> memref<100000x128xf32, #tpu.memory_space<hbm>>
    tpu.wait_indirect_dma semaphore(%arg9 : memref<!tpu.dma_semaphore, #tpu.memory_space<semaphore_mem>>) src(%dma_wait3A_195 : memref<100000x128xf32, #tpu.memory_space<hbm>>) dst(%arg7 : memref<80x128xf32, #tpu.memory_space<vmem>>)
    %add3A_196 = arith.constant 1200 : i32
    %add3A_197 = arith.addi %mul3A_2, %add3A_196 : i32
    "tpu.region"() ({
      %run_scoped3A = tpu.sem_alloc : memref<!tpu.dma_semaphore, #tpu.memory_space<semaphore_mem>>
      %dma_start3A_241 = arith.constant 0 : i32
      %dma_start3A_242 = tpu.memref_slice %arg4[%add3A_197, %dma_start3A_241] : memref<51200x128xf32, #tpu.memory_space<hbm>> -> memref<80x128xf32, #tpu.memory_space<hbm>>
      %dma_start3A_243 = arith.constant 0 : i32
      %dma_start3A_244 = tpu.memref_slice %arg4[%add3A_197, %dma_start3A_243] : memref<51200x128xf32, #tpu.memory_space<hbm>> -> memref<80x128xf32, #tpu.memory_space<hbm>>
      tpu.enqueue_dma source(%arg7 : memref<80x128xf32, #tpu.memory_space<vmem>>) target(%dma_start3A_244 : memref<80x128xf32, #tpu.memory_space<hbm>>) target_semaphore(%run_scoped3A : memref<!tpu.dma_semaphore, #tpu.memory_space<semaphore_mem>>)
      %dma_wait3A_245 = arith.constant 0 : i32
      %dma_wait3A_246 = tpu.memref_slice %arg4[%add3A_197, %dma_wait3A_245] : memref<51200x128xf32, #tpu.memory_space<hbm>> -> memref<80x128xf32, #tpu.memory_space<hbm>>
      %dma_wait3A_247 = arith.constant 0 : i32
      %dma_wait3A_248 = tpu.memref_slice %arg4[%add3A_197, %dma_wait3A_247] : memref<51200x128xf32, #tpu.memory_space<hbm>> -> memref<80x128xf32, #tpu.memory_space<hbm>>
      tpu.wait_dma2 semaphore(%run_scoped3A : memref<!tpu.dma_semaphore, #tpu.memory_space<semaphore_mem>>) src(%arg7 : memref<80x128xf32, #tpu.memory_space<vmem>>) dst(%dma_wait3A_248 : memref<80x128xf32, #tpu.memory_space<hbm>>)
      tpu.yield
    }) : () -> ()
    %dma_start3A_198 = arith.constant 1360 : i32
    %dma_start3A_199 = tpu.memref_slice %arg5[%dma_start3A_198] : memref<1600xi32, #tpu.memory_space<vmem>> -> memref<80xi32, #tpu.memory_space<vmem>>
    %dma_start3A_200 = arith.constant 0 : i32
    %dma_start3A_201 = arith.constant 0 : i32
    %dma_start3A_202 = tpu.memref_slice %arg2[%dma_start3A_200, %dma_start3A_201] : memref<100000x128xf32, #tpu.memory_space<hbm>> -> memref<100000x128xf32, #tpu.memory_space<hbm>>
    tpu.enqueue_indirect_dma source(%dma_start3A_202 : memref<100000x128xf32, #tpu.memory_space<hbm>>) target(%arg7 : memref<80x128xf32, #tpu.memory_space<vmem>>) offsets(%dma_start3A_199 : memref<80xi32, #tpu.memory_space<vmem>>) semaphore(%arg9 : memref<!tpu.dma_semaphore, #tpu.memory_space<semaphore_mem>>)
    %dma_wait3A_203 = arith.constant 1280 : i32
    %dma_wait3A_204 = tpu.memref_slice %arg5[%dma_wait3A_203] : memref<1600xi32, #tpu.memory_space<vmem>> -> memref<80xi32, #tpu.memory_space<vmem>>
    %dma_wait3A_205 = arith.constant 0 : i32
    %dma_wait3A_206 = arith.constant 0 : i32
    %dma_wait3A_207 = tpu.memref_slice %arg2[%dma_wait3A_205, %dma_wait3A_206] : memref<100000x128xf32, #tpu.memory_space<hbm>> -> memref<100000x128xf32, #tpu.memory_space<hbm>>
    tpu.wait_indirect_dma semaphore(%arg8 : memref<!tpu.dma_semaphore, #tpu.memory_space<semaphore_mem>>) src(%dma_wait3A_207 : memref<100000x128xf32, #tpu.memory_space<hbm>>) dst(%arg6 : memref<80x128xf32, #tpu.memory_space<vmem>>)
    %add3A_208 = arith.constant 1280 : i32
    %add3A_209 = arith.addi %mul3A_2, %add3A_208 : i32
    "tpu.region"() ({
      %run_scoped3A = tpu.sem_alloc : memref<!tpu.dma_semaphore, #tpu.memory_space<semaphore_mem>>
      %dma_start3A_241 = arith.constant 0 : i32
      %dma_start3A_242 = tpu.memref_slice %arg4[%add3A_209, %dma_start3A_241] : memref<51200x128xf32, #tpu.memory_space<hbm>> -> memref<80x128xf32, #tpu.memory_space<hbm>>
      %dma_start3A_243 = arith.constant 0 : i32
      %dma_start3A_244 = tpu.memref_slice %arg4[%add3A_209, %dma_start3A_243] : memref<51200x128xf32, #tpu.memory_space<hbm>> -> memref<80x128xf32, #tpu.memory_space<hbm>>
      tpu.enqueue_dma source(%arg6 : memref<80x128xf32, #tpu.memory_space<vmem>>) target(%dma_start3A_244 : memref<80x128xf32, #tpu.memory_space<hbm>>) target_semaphore(%run_scoped3A : memref<!tpu.dma_semaphore, #tpu.memory_space<semaphore_mem>>)
      %dma_wait3A_245 = arith.constant 0 : i32
      %dma_wait3A_246 = tpu.memref_slice %arg4[%add3A_209, %dma_wait3A_245] : memref<51200x128xf32, #tpu.memory_space<hbm>> -> memref<80x128xf32, #tpu.memory_space<hbm>>
      %dma_wait3A_247 = arith.constant 0 : i32
      %dma_wait3A_248 = tpu.memref_slice %arg4[%add3A_209, %dma_wait3A_247] : memref<51200x128xf32, #tpu.memory_space<hbm>> -> memref<80x128xf32, #tpu.memory_space<hbm>>
      tpu.wait_dma2 semaphore(%run_scoped3A : memref<!tpu.dma_semaphore, #tpu.memory_space<semaphore_mem>>) src(%arg6 : memref<80x128xf32, #tpu.memory_space<vmem>>) dst(%dma_wait3A_248 : memref<80x128xf32, #tpu.memory_space<hbm>>)
      tpu.yield
    }) : () -> ()
    %dma_start3A_210 = arith.constant 1440 : i32
    %dma_start3A_211 = tpu.memref_slice %arg5[%dma_start3A_210] : memref<1600xi32, #tpu.memory_space<vmem>> -> memref<80xi32, #tpu.memory_space<vmem>>
    %dma_start3A_212 = arith.constant 0 : i32
    %dma_start3A_213 = arith.constant 0 : i32
    %dma_start3A_214 = tpu.memref_slice %arg2[%dma_start3A_212, %dma_start3A_213] : memref<100000x128xf32, #tpu.memory_space<hbm>> -> memref<100000x128xf32, #tpu.memory_space<hbm>>
    tpu.enqueue_indirect_dma source(%dma_start3A_214 : memref<100000x128xf32, #tpu.memory_space<hbm>>) target(%arg6 : memref<80x128xf32, #tpu.memory_space<vmem>>) offsets(%dma_start3A_211 : memref<80xi32, #tpu.memory_space<vmem>>) semaphore(%arg8 : memref<!tpu.dma_semaphore, #tpu.memory_space<semaphore_mem>>)
    %dma_wait3A_215 = arith.constant 1360 : i32
    %dma_wait3A_216 = tpu.memref_slice %arg5[%dma_wait3A_215] : memref<1600xi32, #tpu.memory_space<vmem>> -> memref<80xi32, #tpu.memory_space<vmem>>
    %dma_wait3A_217 = arith.constant 0 : i32
    %dma_wait3A_218 = arith.constant 0 : i32
    %dma_wait3A_219 = tpu.memref_slice %arg2[%dma_wait3A_217, %dma_wait3A_218] : memref<100000x128xf32, #tpu.memory_space<hbm>> -> memref<100000x128xf32, #tpu.memory_space<hbm>>
    tpu.wait_indirect_dma semaphore(%arg9 : memref<!tpu.dma_semaphore, #tpu.memory_space<semaphore_mem>>) src(%dma_wait3A_219 : memref<100000x128xf32, #tpu.memory_space<hbm>>) dst(%arg7 : memref<80x128xf32, #tpu.memory_space<vmem>>)
    %add3A_220 = arith.constant 1360 : i32
    %add3A_221 = arith.addi %mul3A_2, %add3A_220 : i32
    "tpu.region"() ({
      %run_scoped3A = tpu.sem_alloc : memref<!tpu.dma_semaphore, #tpu.memory_space<semaphore_mem>>
      %dma_start3A_241 = arith.constant 0 : i32
      %dma_start3A_242 = tpu.memref_slice %arg4[%add3A_221, %dma_start3A_241] : memref<51200x128xf32, #tpu.memory_space<hbm>> -> memref<80x128xf32, #tpu.memory_space<hbm>>
      %dma_start3A_243 = arith.constant 0 : i32
      %dma_start3A_244 = tpu.memref_slice %arg4[%add3A_221, %dma_start3A_243] : memref<51200x128xf32, #tpu.memory_space<hbm>> -> memref<80x128xf32, #tpu.memory_space<hbm>>
      tpu.enqueue_dma source(%arg7 : memref<80x128xf32, #tpu.memory_space<vmem>>) target(%dma_start3A_244 : memref<80x128xf32, #tpu.memory_space<hbm>>) target_semaphore(%run_scoped3A : memref<!tpu.dma_semaphore, #tpu.memory_space<semaphore_mem>>)
      %dma_wait3A_245 = arith.constant 0 : i32
      %dma_wait3A_246 = tpu.memref_slice %arg4[%add3A_221, %dma_wait3A_245] : memref<51200x128xf32, #tpu.memory_space<hbm>> -> memref<80x128xf32, #tpu.memory_space<hbm>>
      %dma_wait3A_247 = arith.constant 0 : i32
      %dma_wait3A_248 = tpu.memref_slice %arg4[%add3A_221, %dma_wait3A_247] : memref<51200x128xf32, #tpu.memory_space<hbm>> -> memref<80x128xf32, #tpu.memory_space<hbm>>
      tpu.wait_dma2 semaphore(%run_scoped3A : memref<!tpu.dma_semaphore, #tpu.memory_space<semaphore_mem>>) src(%arg7 : memref<80x128xf32, #tpu.memory_space<vmem>>) dst(%dma_wait3A_248 : memref<80x128xf32, #tpu.memory_space<hbm>>)
      tpu.yield
    }) : () -> ()
    %dma_start3A_222 = arith.constant 1520 : i32
    %dma_start3A_223 = tpu.memref_slice %arg5[%dma_start3A_222] : memref<1600xi32, #tpu.memory_space<vmem>> -> memref<80xi32, #tpu.memory_space<vmem>>
    %dma_start3A_224 = arith.constant 0 : i32
    %dma_start3A_225 = arith.constant 0 : i32
    %dma_start3A_226 = tpu.memref_slice %arg2[%dma_start3A_224, %dma_start3A_225] : memref<100000x128xf32, #tpu.memory_space<hbm>> -> memref<100000x128xf32, #tpu.memory_space<hbm>>
    tpu.enqueue_indirect_dma source(%dma_start3A_226 : memref<100000x128xf32, #tpu.memory_space<hbm>>) target(%arg7 : memref<80x128xf32, #tpu.memory_space<vmem>>) offsets(%dma_start3A_223 : memref<80xi32, #tpu.memory_space<vmem>>) semaphore(%arg9 : memref<!tpu.dma_semaphore, #tpu.memory_space<semaphore_mem>>)
    %dma_wait3A_227 = arith.constant 1440 : i32
    %dma_wait3A_228 = tpu.memref_slice %arg5[%dma_wait3A_227] : memref<1600xi32, #tpu.memory_space<vmem>> -> memref<80xi32, #tpu.memory_space<vmem>>
    %dma_wait3A_229 = arith.constant 0 : i32
    %dma_wait3A_230 = arith.constant 0 : i32
    %dma_wait3A_231 = tpu.memref_slice %arg2[%dma_wait3A_229, %dma_wait3A_230] : memref<100000x128xf32, #tpu.memory_space<hbm>> -> memref<100000x128xf32, #tpu.memory_space<hbm>>
    tpu.wait_indirect_dma semaphore(%arg8 : memref<!tpu.dma_semaphore, #tpu.memory_space<semaphore_mem>>) src(%dma_wait3A_231 : memref<100000x128xf32, #tpu.memory_space<hbm>>) dst(%arg6 : memref<80x128xf32, #tpu.memory_space<vmem>>)
    %add3A_232 = arith.constant 1440 : i32
    %add3A_233 = arith.addi %mul3A_2, %add3A_232 : i32
    "tpu.region"() ({
      %run_scoped3A = tpu.sem_alloc : memref<!tpu.dma_semaphore, #tpu.memory_space<semaphore_mem>>
      %dma_start3A_241 = arith.constant 0 : i32
      %dma_start3A_242 = tpu.memref_slice %arg4[%add3A_233, %dma_start3A_241] : memref<51200x128xf32, #tpu.memory_space<hbm>> -> memref<80x128xf32, #tpu.memory_space<hbm>>
      %dma_start3A_243 = arith.constant 0 : i32
      %dma_start3A_244 = tpu.memref_slice %arg4[%add3A_233, %dma_start3A_243] : memref<51200x128xf32, #tpu.memory_space<hbm>> -> memref<80x128xf32, #tpu.memory_space<hbm>>
      tpu.enqueue_dma source(%arg6 : memref<80x128xf32, #tpu.memory_space<vmem>>) target(%dma_start3A_244 : memref<80x128xf32, #tpu.memory_space<hbm>>) target_semaphore(%run_scoped3A : memref<!tpu.dma_semaphore, #tpu.memory_space<semaphore_mem>>)
      %dma_wait3A_245 = arith.constant 0 : i32
      %dma_wait3A_246 = tpu.memref_slice %arg4[%add3A_233, %dma_wait3A_245] : memref<51200x128xf32, #tpu.memory_space<hbm>> -> memref<80x128xf32, #tpu.memory_space<hbm>>
      %dma_wait3A_247 = arith.constant 0 : i32
      %dma_wait3A_248 = tpu.memref_slice %arg4[%add3A_233, %dma_wait3A_247] : memref<51200x128xf32, #tpu.memory_space<hbm>> -> memref<80x128xf32, #tpu.memory_space<hbm>>
      tpu.wait_dma2 semaphore(%run_scoped3A : memref<!tpu.dma_semaphore, #tpu.memory_space<semaphore_mem>>) src(%arg6 : memref<80x128xf32, #tpu.memory_space<vmem>>) dst(%dma_wait3A_248 : memref<80x128xf32, #tpu.memory_space<hbm>>)
      tpu.yield
    }) : () -> ()
    %dma_wait3A_234 = arith.constant 1520 : i32
    %dma_wait3A_235 = tpu.memref_slice %arg5[%dma_wait3A_234] : memref<1600xi32, #tpu.memory_space<vmem>> -> memref<80xi32, #tpu.memory_space<vmem>>
    %dma_wait3A_236 = arith.constant 0 : i32
    %dma_wait3A_237 = arith.constant 0 : i32
    %dma_wait3A_238 = tpu.memref_slice %arg2[%dma_wait3A_236, %dma_wait3A_237] : memref<100000x128xf32, #tpu.memory_space<hbm>> -> memref<100000x128xf32, #tpu.memory_space<hbm>>
    tpu.wait_indirect_dma semaphore(%arg9 : memref<!tpu.dma_semaphore, #tpu.memory_space<semaphore_mem>>) src(%dma_wait3A_238 : memref<100000x128xf32, #tpu.memory_space<hbm>>) dst(%arg7 : memref<80x128xf32, #tpu.memory_space<vmem>>)
    %add3A_239 = arith.constant 1520 : i32
    %add3A_240 = arith.addi %mul3A_2, %add3A_239 : i32
    "tpu.region"() ({
      %run_scoped3A = tpu.sem_alloc : memref<!tpu.dma_semaphore, #tpu.memory_space<semaphore_mem>>
      %dma_start3A_241 = arith.constant 0 : i32
      %dma_start3A_242 = tpu.memref_slice %arg4[%add3A_240, %dma_start3A_241] : memref<51200x128xf32, #tpu.memory_space<hbm>> -> memref<80x128xf32, #tpu.memory_space<hbm>>
      %dma_start3A_243 = arith.constant 0 : i32
      %dma_start3A_244 = tpu.memref_slice %arg4[%add3A_240, %dma_start3A_243] : memref<51200x128xf32, #tpu.memory_space<hbm>> -> memref<80x128xf32, #tpu.memory_space<hbm>>
      tpu.enqueue_dma source(%arg7 : memref<80x128xf32, #tpu.memory_space<vmem>>) target(%dma_start3A_244 : memref<80x128xf32, #tpu.memory_space<hbm>>) target_semaphore(%run_scoped3A : memref<!tpu.dma_semaphore, #tpu.memory_space<semaphore_mem>>)
      %dma_wait3A_245 = arith.constant 0 : i32
      %dma_wait3A_246 = tpu.memref_slice %arg4[%add3A_240, %dma_wait3A_245] : memref<51200x128xf32, #tpu.memory_space<hbm>> -> memref<80x128xf32, #tpu.memory_space<hbm>>
      %dma_wait3A_247 = arith.constant 0 : i32
      %dma_wait3A_248 = tpu.memref_slice %arg4[%add3A_240, %dma_wait3A_247] : memref<51200x128xf32, #tpu.memory_space<hbm>> -> memref<80x128xf32, #tpu.memory_space<hbm>>
      tpu.wait_dma2 semaphore(%run_scoped3A : memref<!tpu.dma_semaphore, #tpu.memory_space<semaphore_mem>>) src(%arg7 : memref<80x128xf32, #tpu.memory_space<vmem>>) dst(%dma_wait3A_248 : memref<80x128xf32, #tpu.memory_space<hbm>>)
      tpu.yield
    }) : () -> ()
    return
  }
}

module attributes {stable_mosaic.version = 14 : i64} {
  func.func @_tpad_body(%arg0: i32, %arg1: memref<100x16384xf32, #tpu.memory_space<vmem>>, %arg2: memref<16384x128xf32, #tpu.memory_space<vmem>>) attributes {dimension_semantics = [#tpu.dimension_semantics<arbitrary>], iteration_bounds = array<i64: 7>, scalar_prefetch = 0 : i64, scratch_operands = 0 : i64, tpu.core_type = #tpu.core_type<tc>, window_params = [{transform_indices = @transform_0, window_bounds = array<i64: 100, 16384>}, {transform_indices = @transform_1, window_bounds = array<i64: 16384, 128>}]} {
    %get3A = arith.constant 0 : index
    %get3A_0 = arith.constant 0 : index
    %get3A_1 = vector.load %arg1[%get3A, %get3A_0] : memref<100x16384xf32, #tpu.memory_space<vmem>>, vector<100x16384xf32>
    %transpose3A = tpu.transpose %get3A_1, [1, 0] : vector<100x16384xf32> -> vector<16384x100xf32>
    %broadcast_in_dim3A = arith.constant 0.000000e+00 : f32
    %broadcast_in_dim3A_2 = vector.broadcast %broadcast_in_dim3A : f32 to vector<16384x28xf32>
    %concatenate3A = tpu.concatenate %transpose3A, %broadcast_in_dim3A_2 in 1 : vector<16384x100xf32>, vector<16384x28xf32> -> vector<16384x128xf32>
    %swap3A = arith.constant 0 : index
    %swap3A_3 = arith.constant 0 : index
    %swap3A_4 = vector.load %arg2[%swap3A, %swap3A_3] : memref<16384x128xf32, #tpu.memory_space<vmem>>, vector<16384x128xf32>
    tpu.vector_store %arg2[%swap3A, %swap3A_3], %concatenate3A {strides = array<i32>} : memref<16384x128xf32, #tpu.memory_space<vmem>>, vector<16384x128xf32>,
    return
  }
  func.func @transform_0(%arg0: i32) -> (i32, i32) {
    %c0_i32 = arith.constant 0 : i32
    %c0_i32_0 = arith.constant 0 : i32
    return %c0_i32, %arg0 : i32, i32
  }
  func.func @transform_1(%arg0: i32) -> (i32, i32) {
    %c0_i32 = arith.constant 0 : i32
    %c0_i32_0 = arith.constant 0 : i32
    return %arg0, %c0_i32 : i32, i32
  }
}

module attributes {stable_mosaic.version = 14 : i64} {
  func.func @_layer0_body(%arg0: i32, %arg1: memref<1024x128xf32, #tpu.memory_space<vmem>>, %arg2: memref<1024x128xf32, #tpu.memory_space<vmem>>, %arg3: memref<256x512xbf16, #tpu.memory_space<vmem>>, %arg4: memref<1x512xf32, #tpu.memory_space<vmem>>, %arg5: memref<256x512xbf16, #tpu.memory_space<vmem>>, %arg6: memref<1x512xf32, #tpu.memory_space<vmem>>, %arg7: memref<1024x128xbf16, #tpu.memory_space<vmem>>, %arg8: memref<1024x128xbf16, #tpu.memory_space<vmem>>, %arg9: memref<1024x128xbf16, #tpu.memory_space<vmem>>, %arg10: memref<1024x128xf32, #tpu.memory_space<vmem>>, %arg11: memref<1024x128xbf16, #tpu.memory_space<vmem>>, %arg12: memref<1024x128xf32, #tpu.memory_space<vmem>>) attributes {dimension_semantics = [#tpu.dimension_semantics<arbitrary>], iteration_bounds = array<i64: 50>, scalar_prefetch = 0 : i64, scratch_operands = 4 : i64, tpu.core_type = #tpu.core_type<tc>, window_params = [{transform_indices = @transform_0, window_bounds = array<i64: 1024, 128>}, {transform_indices = @transform_1, window_bounds = array<i64: 1024, 128>}, {pipeline_mode = #tpu.pipeline_mode<synchronous>, transform_indices = @transform_2, window_bounds = array<i64: 256, 512>}, {pipeline_mode = #tpu.pipeline_mode<synchronous>, transform_indices = @transform_3, window_bounds = array<i64: 1, 512>}, {pipeline_mode = #tpu.pipeline_mode<synchronous>, transform_indices = @transform_4, window_bounds = array<i64: 256, 512>}, {pipeline_mode = #tpu.pipeline_mode<synchronous>, transform_indices = @transform_5, window_bounds = array<i64: 1, 512>}, {transform_indices = @transform_6, window_bounds = array<i64: 1024, 128>}, {transform_indices = @transform_7, window_bounds = array<i64: 1024, 128>}]} {
    %eq3A = arith.constant 0 : i32
    %eq3A_0 = arith.cmpi eq, %arg0, %eq3A : i32
    %convert_element_type3A = arith.extui %eq3A_0 : i1 to i32
    %cond3A = arith.constant 0 : i32
    %cond3A_1 = arith.cmpi ne, %convert_element_type3A, %cond3A : i32
    scf.if %cond3A_1 {
      %broadcast_in_dim3A = arith.constant 0.000000e+00 : bf16
      %broadcast_in_dim3A_118 = vector.broadcast %broadcast_in_dim3A : bf16 to vector<1024x128xbf16>
      %swap3A_119 = arith.constant 0 : index
      %swap3A_120 = arith.constant 0 : index
      %swap3A_121 = vector.load %arg9[%swap3A_119, %swap3A_120] : memref<1024x128xbf16, #tpu.memory_space<vmem>>, vector<1024x128xbf16>
      tpu.vector_store %arg9[%swap3A_119, %swap3A_120], %broadcast_in_dim3A_118 {strides = array<i32>} : memref<1024x128xbf16, #tpu.memory_space<vmem>>, vector<1024x128xbf16>,
      %broadcast_in_dim3A_122 = arith.constant 0.000000e+00 : f32
      %broadcast_in_dim3A_123 = vector.broadcast %broadcast_in_dim3A_122 : f32 to vector<1024x128xf32>
      %swap3A_124 = arith.constant 0 : index
      %swap3A_125 = arith.constant 0 : index
      %swap3A_126 = vector.load %arg10[%swap3A_124, %swap3A_125] : memref<1024x128xf32, #tpu.memory_space<vmem>>, vector<1024x128xf32>
      tpu.vector_store %arg10[%swap3A_124, %swap3A_125], %broadcast_in_dim3A_123 {strides = array<i32>} : memref<1024x128xf32, #tpu.memory_space<vmem>>, vector<1024x128xf32>,
      %broadcast_in_dim3A_127 = arith.constant 0.000000e+00 : bf16
      %broadcast_in_dim3A_128 = vector.broadcast %broadcast_in_dim3A_127 : bf16 to vector<1024x128xbf16>
      %swap3A_129 = arith.constant 0 : index
      %swap3A_130 = arith.constant 0 : index
      %swap3A_131 = vector.load %arg11[%swap3A_129, %swap3A_130] : memref<1024x128xbf16, #tpu.memory_space<vmem>>, vector<1024x128xbf16>
      tpu.vector_store %arg11[%swap3A_129, %swap3A_130], %broadcast_in_dim3A_128 {strides = array<i32>} : memref<1024x128xbf16, #tpu.memory_space<vmem>>, vector<1024x128xbf16>,
      %broadcast_in_dim3A_132 = arith.constant 0.000000e+00 : f32
      %broadcast_in_dim3A_133 = vector.broadcast %broadcast_in_dim3A_132 : f32 to vector<1024x128xf32>
      %swap3A_134 = arith.constant 0 : index
      %swap3A_135 = arith.constant 0 : index
      %swap3A_136 = vector.load %arg12[%swap3A_134, %swap3A_135] : memref<1024x128xf32, #tpu.memory_space<vmem>>, vector<1024x128xf32>
      tpu.vector_store %arg12[%swap3A_134, %swap3A_135], %broadcast_in_dim3A_133 {strides = array<i32>} : memref<1024x128xf32, #tpu.memory_space<vmem>>, vector<1024x128xf32>,
    } else {
    }
    %get3A = arith.constant 0 : index
    %get3A_2 = arith.constant 0 : index
    %get3A_3 = vector.load %arg1[%get3A, %get3A_2] : memref<1024x128xf32, #tpu.memory_space<vmem>>, vector<1024x128xf32>
    %convert_element_type3A_4 = arith.truncf %get3A_3 : vector<1024x128xf32> to vector<1024x128xbf16>
    %get3A_5 = arith.constant 0 : index
    %get3A_6 = arith.constant 0 : index
    %get3A_7 = vector.load %arg9[%get3A_5, %get3A_6] : memref<1024x128xbf16, #tpu.memory_space<vmem>>, vector<1024x128xbf16>
    %concatenate3A = tpu.concatenate %convert_element_type3A_4, %get3A_7 in 1 : vector<1024x128xbf16>, vector<1024x128xbf16> -> vector<1024x256xbf16>
    %get3A_8 = arith.constant 0 : index
    %get3A_9 = arith.constant 0 : index
    %get3A_10 = vector.load %arg3[%get3A_8, %get3A_9] : memref<256x512xbf16, #tpu.memory_space<vmem>>, vector<256x512xbf16>
    %dot_general3A = arith.constant dense<0.000000e+00> : vector<1024x512xf32>
    %dot_general3A_11 = tpu.matmul %concatenate3A, %get3A_10, %dot_general3A {dimension_numbers = #tpu.dot_dimension_numbers<[1], [0], [0], [1], [0, 0, 1, 1], [], []>, transpose_lhs_hint = false} : vector<1024x256xbf16>, vector<256x512xbf16>, vector<1024x512xf32> -> vector<1024x512xf32>
    %get3A_12 = arith.constant 0 : index
    %get3A_13 = arith.constant 0 : index
    %get3A_14 = vector.load %arg4[%get3A_12, %get3A_13] : memref<1x512xf32, #tpu.memory_space<vmem>>, vector<1x512xf32>
    %add3A = vector.broadcast %get3A_14 : vector<1x512xf32> to vector<1024x512xf32>
    %add3A_15 = arith.addf %dot_general3A_11, %add3A : vector<1024x512xf32>
    %slice3A = vector.extract_strided_slice %add3A_15 {offsets = [0, 0], sizes = [1024, 128], strides = [1, 1]} : vector<1024x512xf32> to vector<1024x128xf32>
    %tanh3A = math.tanh %slice3A : vector<1024x128xf32>
    %mul3A = arith.constant 5.000000e-01 : f32
    %mul3A_16 = vector.broadcast %mul3A : f32 to vector<1024x128xf32>
    %mul3A_17 = arith.mulf %mul3A_16, %tanh3A : vector<1024x128xf32>
    %add3A_18 = arith.constant 5.000000e-01 : f32
    %add3A_19 = vector.broadcast %add3A_18 : f32 to vector<1024x128xf32>
    %add3A_20 = arith.addf %mul3A_17, %add3A_19 : vector<1024x128xf32>
    %slice3A_21 = vector.extract_strided_slice %add3A_15 {offsets = [0, 128], sizes = [1024, 128], strides = [1, 1]} : vector<1024x512xf32> to vector<1024x128xf32>
    %tanh3A_22 = math.tanh %slice3A_21 : vector<1024x128xf32>
    %mul3A_23 = arith.constant 5.000000e-01 : f32
    %mul3A_24 = vector.broadcast %mul3A_23 : f32 to vector<1024x128xf32>
    %mul3A_25 = arith.mulf %mul3A_24, %tanh3A_22 : vector<1024x128xf32>
    %add3A_26 = arith.constant 5.000000e-01 : f32
    %add3A_27 = vector.broadcast %add3A_26 : f32 to vector<1024x128xf32>
    %add3A_28 = arith.addf %mul3A_25, %add3A_27 : vector<1024x128xf32>
    %slice3A_29 = vector.extract_strided_slice %add3A_15 {offsets = [0, 256], sizes = [1024, 128], strides = [1, 1]} : vector<1024x512xf32> to vector<1024x128xf32>
    %tanh3A_30 = math.tanh %slice3A_29 : vector<1024x128xf32>
    %slice3A_31 = vector.extract_strided_slice %add3A_15 {offsets = [0, 384], sizes = [1024, 128], strides = [1, 1]} : vector<1024x512xf32> to vector<1024x128xf32>
    %tanh3A_32 = math.tanh %slice3A_31 : vector<1024x128xf32>
    %mul3A_33 = arith.constant 5.000000e-01 : f32
    %mul3A_34 = vector.broadcast %mul3A_33 : f32 to vector<1024x128xf32>
    %mul3A_35 = arith.mulf %mul3A_34, %tanh3A_32 : vector<1024x128xf32>
    %add3A_36 = arith.constant 5.000000e-01 : f32
    %add3A_37 = vector.broadcast %add3A_36 : f32 to vector<1024x128xf32>
    %add3A_38 = arith.addf %mul3A_35, %add3A_37 : vector<1024x128xf32>
    %get3A_39 = arith.constant 0 : index
    %get3A_40 = arith.constant 0 : index
    %get3A_41 = vector.load %arg10[%get3A_39, %get3A_40] : memref<1024x128xf32, #tpu.memory_space<vmem>>, vector<1024x128xf32>
    %mul3A_42 = arith.mulf %add3A_28, %get3A_41 : vector<1024x128xf32>
    %mul3A_43 = arith.mulf %add3A_20, %tanh3A_30 : vector<1024x128xf32>
    %add3A_44 = arith.addf %mul3A_42, %mul3A_43 : vector<1024x128xf32>
    %tanh3A_45 = math.tanh %add3A_44 : vector<1024x128xf32>
    %mul3A_46 = arith.mulf %add3A_38, %tanh3A_45 : vector<1024x128xf32>
    %convert_element_type3A_47 = arith.truncf %mul3A_46 : vector<1024x128xf32> to vector<1024x128xbf16>
    %swap3A = arith.constant 0 : index
    %swap3A_48 = arith.constant 0 : index
    %swap3A_49 = vector.load %arg9[%swap3A, %swap3A_48] : memref<1024x128xbf16, #tpu.memory_space<vmem>>, vector<1024x128xbf16>
    tpu.vector_store %arg9[%swap3A, %swap3A_48], %convert_element_type3A_47 {strides = array<i32>} : memref<1024x128xbf16, #tpu.memory_space<vmem>>, vector<1024x128xbf16>,
    %swap3A_50 = arith.constant 0 : index
    %swap3A_51 = arith.constant 0 : index
    %swap3A_52 = vector.load %arg10[%swap3A_50, %swap3A_51] : memref<1024x128xf32, #tpu.memory_space<vmem>>, vector<1024x128xf32>
    tpu.vector_store %arg10[%swap3A_50, %swap3A_51], %add3A_44 {strides = array<i32>} : memref<1024x128xf32, #tpu.memory_space<vmem>>, vector<1024x128xf32>,
    %swap3A_53 = arith.constant 0 : index
    %swap3A_54 = arith.constant 0 : index
    %swap3A_55 = vector.load %arg7[%swap3A_53, %swap3A_54] : memref<1024x128xbf16, #tpu.memory_space<vmem>>, vector<1024x128xbf16>
    tpu.vector_store %arg7[%swap3A_53, %swap3A_54], %convert_element_type3A_47 {strides = array<i32>} : memref<1024x128xbf16, #tpu.memory_space<vmem>>, vector<1024x128xbf16>,
    %get3A_56 = arith.constant 0 : index
    %get3A_57 = arith.constant 0 : index
    %get3A_58 = vector.load %arg2[%get3A_56, %get3A_57] : memref<1024x128xf32, #tpu.memory_space<vmem>>, vector<1024x128xf32>
    %convert_element_type3A_59 = arith.truncf %get3A_58 : vector<1024x128xf32> to vector<1024x128xbf16>
    %get3A_60 = arith.constant 0 : index
    %get3A_61 = arith.constant 0 : index
    %get3A_62 = vector.load %arg11[%get3A_60, %get3A_61] : memref<1024x128xbf16, #tpu.memory_space<vmem>>, vector<1024x128xbf16>
    %concatenate3A_63 = tpu.concatenate %convert_element_type3A_59, %get3A_62 in 1 : vector<1024x128xbf16>, vector<1024x128xbf16> -> vector<1024x256xbf16>
    %get3A_64 = arith.constant 0 : index
    %get3A_65 = arith.constant 0 : index
    %get3A_66 = vector.load %arg5[%get3A_64, %get3A_65] : memref<256x512xbf16, #tpu.memory_space<vmem>>, vector<256x512xbf16>
    %dot_general3A_67 = arith.constant dense<0.000000e+00> : vector<1024x512xf32>
    %dot_general3A_68 = tpu.matmul %concatenate3A_63, %get3A_66, %dot_general3A_67 {dimension_numbers = #tpu.dot_dimension_numbers<[1], [0], [0], [1], [0, 0, 1, 1], [], []>, transpose_lhs_hint = false} : vector<1024x256xbf16>, vector<256x512xbf16>, vector<1024x512xf32> -> vector<1024x512xf32>
    %get3A_69 = arith.constant 0 : index
    %get3A_70 = arith.constant 0 : index
    %get3A_71 = vector.load %arg6[%get3A_69, %get3A_70] : memref<1x512xf32, #tpu.memory_space<vmem>>, vector<1x512xf32>
    %add3A_72 = vector.broadcast %get3A_71 : vector<1x512xf32> to vector<1024x512xf32>
    %add3A_73 = arith.addf %dot_general3A_68, %add3A_72 : vector<1024x512xf32>
    %slice3A_74 = vector.extract_strided_slice %add3A_73 {offsets = [0, 0], sizes = [1024, 128], strides = [1, 1]} : vector<1024x512xf32> to vector<1024x128xf32>
    %tanh3A_75 = math.tanh %slice3A_74 : vector<1024x128xf32>
    %mul3A_76 = arith.constant 5.000000e-01 : f32
    %mul3A_77 = vector.broadcast %mul3A_76 : f32 to vector<1024x128xf32>
    %mul3A_78 = arith.mulf %mul3A_77, %tanh3A_75 : vector<1024x128xf32>
    %add3A_79 = arith.constant 5.000000e-01 : f32
    %add3A_80 = vector.broadcast %add3A_79 : f32 to vector<1024x128xf32>
    %add3A_81 = arith.addf %mul3A_78, %add3A_80 : vector<1024x128xf32>
    %slice3A_82 = vector.extract_strided_slice %add3A_73 {offsets = [0, 128], sizes = [1024, 128], strides = [1, 1]} : vector<1024x512xf32> to vector<1024x128xf32>
    %tanh3A_83 = math.tanh %slice3A_82 : vector<1024x128xf32>
    %mul3A_84 = arith.constant 5.000000e-01 : f32
    %mul3A_85 = vector.broadcast %mul3A_84 : f32 to vector<1024x128xf32>
    %mul3A_86 = arith.mulf %mul3A_85, %tanh3A_83 : vector<1024x128xf32>
    %add3A_87 = arith.constant 5.000000e-01 : f32
    %add3A_88 = vector.broadcast %add3A_87 : f32 to vector<1024x128xf32>
    %add3A_89 = arith.addf %mul3A_86, %add3A_88 : vector<1024x128xf32>
    %slice3A_90 = vector.extract_strided_slice %add3A_73 {offsets = [0, 256], sizes = [1024, 128], strides = [1, 1]} : vector<1024x512xf32> to vector<1024x128xf32>
    %tanh3A_91 = math.tanh %slice3A_90 : vector<1024x128xf32>
    %slice3A_92 = vector.extract_strided_slice %add3A_73 {offsets = [0, 384], sizes = [1024, 128], strides = [1, 1]} : vector<1024x512xf32> to vector<1024x128xf32>
    %tanh3A_93 = math.tanh %slice3A_92 : vector<1024x128xf32>
    %mul3A_94 = arith.constant 5.000000e-01 : f32
    %mul3A_95 = vector.broadcast %mul3A_94 : f32 to vector<1024x128xf32>
    %mul3A_96 = arith.mulf %mul3A_95, %tanh3A_93 : vector<1024x128xf32>
    %add3A_97 = arith.constant 5.000000e-01 : f32
    %add3A_98 = vector.broadcast %add3A_97 : f32 to vector<1024x128xf32>
    %add3A_99 = arith.addf %mul3A_96, %add3A_98 : vector<1024x128xf32>
    %get3A_100 = arith.constant 0 : index
    %get3A_101 = arith.constant 0 : index
    %get3A_102 = vector.load %arg12[%get3A_100, %get3A_101] : memref<1024x128xf32, #tpu.memory_space<vmem>>, vector<1024x128xf32>
    %mul3A_103 = arith.mulf %add3A_89, %get3A_102 : vector<1024x128xf32>
    %mul3A_104 = arith.mulf %add3A_81, %tanh3A_91 : vector<1024x128xf32>
    %add3A_105 = arith.addf %mul3A_103, %mul3A_104 : vector<1024x128xf32>
    %tanh3A_106 = math.tanh %add3A_105 : vector<1024x128xf32>
    %mul3A_107 = arith.mulf %add3A_99, %tanh3A_106 : vector<1024x128xf32>
    %convert_element_type3A_108 = arith.truncf %mul3A_107 : vector<1024x128xf32> to vector<1024x128xbf16>
    %swap3A_109 = arith.constant 0 : index
    %swap3A_110 = arith.constant 0 : index
    %swap3A_111 = vector.load %arg11[%swap3A_109, %swap3A_110] : memref<1024x128xbf16, #tpu.memory_space<vmem>>, vector<1024x128xbf16>
    tpu.vector_store %arg11[%swap3A_109, %swap3A_110], %convert_element_type3A_108 {strides = array<i32>} : memref<1024x128xbf16, #tpu.memory_space<vmem>>, vector<1024x128xbf16>,
    %swap3A_112 = arith.constant 0 : index
    %swap3A_113 = arith.constant 0 : index
    %swap3A_114 = vector.load %arg12[%swap3A_112, %swap3A_113] : memref<1024x128xf32, #tpu.memory_space<vmem>>, vector<1024x128xf32>
    tpu.vector_store %arg12[%swap3A_112, %swap3A_113], %add3A_105 {strides = array<i32>} : memref<1024x128xf32, #tpu.memory_space<vmem>>, vector<1024x128xf32>,
    %swap3A_115 = arith.constant 0 : index
    %swap3A_116 = arith.constant 0 : index
    %swap3A_117 = vector.load %arg8[%swap3A_115, %swap3A_116] : memref<1024x128xbf16, #tpu.memory_space<vmem>>, vector<1024x128xbf16>
    tpu.vector_store %arg8[%swap3A_115, %swap3A_116], %convert_element_type3A_108 {strides = array<i32>} : memref<1024x128xbf16, #tpu.memory_space<vmem>>, vector<1024x128xbf16>,
    return
  }
  func.func @transform_0(%arg0: i32) -> (i32, i32) {
    %c0_i32 = arith.constant 0 : i32
    %c0_i32_0 = arith.constant 0 : i32
    return %arg0, %c0_i32 : i32, i32
  }
  func.func @transform_1(%arg0: i32) -> (i32, i32) {
    %sub3A = arith.constant 49 : i32
    %sub3A_0 = arith.subi %sub3A, %arg0 : i32
    %c0_i32 = arith.constant 0 : i32
    %c0_i32_1 = arith.constant 0 : i32
    return %sub3A_0, %c0_i32 : i32, i32
  }
  func.func @transform_2(%arg0: i32) -> (i32, i32) {
    %c0_i32 = arith.constant 0 : i32
    %c0_i32_0 = arith.constant 0 : i32
    %c0_i32_1 = arith.constant 0 : i32
    return %c0_i32, %c0_i32_0 : i32, i32
  }
  func.func @transform_3(%arg0: i32) -> (i32, i32) {
    %c0_i32 = arith.constant 0 : i32
    %c0_i32_0 = arith.constant 0 : i32
    %c0_i32_1 = arith.constant 0 : i32
    return %c0_i32, %c0_i32_0 : i32, i32
  }
  func.func @transform_4(%arg0: i32) -> (i32, i32) {
    %c0_i32 = arith.constant 0 : i32
    %c0_i32_0 = arith.constant 0 : i32
    %c0_i32_1 = arith.constant 0 : i32
    return %c0_i32, %c0_i32_0 : i32, i32
  }
  func.func @transform_5(%arg0: i32) -> (i32, i32) {
    %c0_i32 = arith.constant 0 : i32
    %c0_i32_0 = arith.constant 0 : i32
    %c0_i32_1 = arith.constant 0 : i32
    return %c0_i32, %c0_i32_0 : i32, i32
  }
  func.func @transform_6(%arg0: i32) -> (i32, i32) {
    %c0_i32 = arith.constant 0 : i32
    %c0_i32_0 = arith.constant 0 : i32
    return %arg0, %c0_i32 : i32, i32
  }
  func.func @transform_7(%arg0: i32) -> (i32, i32) {
    %sub3A = arith.constant 49 : i32
    %sub3A_0 = arith.subi %sub3A, %arg0 : i32
    %c0_i32 = arith.constant 0 : i32
    %c0_i32_1 = arith.constant 0 : i32
    return %sub3A_0, %c0_i32 : i32, i32
  }
}

module attributes {stable_mosaic.version = 14 : i64} {
  func.func @_layer1_body(%arg0: i32, %arg1: memref<1024x128xbf16, #tpu.memory_space<vmem>>, %arg2: memref<1024x128xbf16, #tpu.memory_space<vmem>>, %arg3: memref<1024x128xbf16, #tpu.memory_space<vmem>>, %arg4: memref<1024x128xbf16, #tpu.memory_space<vmem>>, %arg5: memref<384x512xbf16, #tpu.memory_space<vmem>>, %arg6: memref<1x512xf32, #tpu.memory_space<vmem>>, %arg7: memref<384x512xbf16, #tpu.memory_space<vmem>>, %arg8: memref<1x512xf32, #tpu.memory_space<vmem>>, %arg9: memref<256x7xf32, #tpu.memory_space<vmem>>, %arg10: memref<1x7xf32, #tpu.memory_space<vmem>>, %arg11: memref<1024x7xf32, #tpu.memory_space<vmem>>, %arg12: memref<1024x128xbf16, #tpu.memory_space<vmem>>, %arg13: memref<1024x128xf32, #tpu.memory_space<vmem>>, %arg14: memref<1024x128xbf16, #tpu.memory_space<vmem>>, %arg15: memref<1024x128xf32, #tpu.memory_space<vmem>>, %arg16: memref<1024x128xf32, #tpu.memory_space<vmem>>) attributes {dimension_semantics = [#tpu.dimension_semantics<arbitrary>], iteration_bounds = array<i64: 50>, scalar_prefetch = 0 : i64, scratch_operands = 5 : i64, tpu.core_type = #tpu.core_type<tc>, window_params = [{transform_indices = @transform_0, window_bounds = array<i64: 1024, 128>}, {transform_indices = @transform_1, window_bounds = array<i64: 1024, 128>}, {transform_indices = @transform_2, window_bounds = array<i64: 1024, 128>}, {transform_indices = @transform_3, window_bounds = array<i64: 1024, 128>}, {pipeline_mode = #tpu.pipeline_mode<synchronous>, transform_indices = @transform_4, window_bounds = array<i64: 384, 512>}, {pipeline_mode = #tpu.pipeline_mode<synchronous>, transform_indices = @transform_5, window_bounds = array<i64: 1, 512>}, {pipeline_mode = #tpu.pipeline_mode<synchronous>, transform_indices = @transform_6, window_bounds = array<i64: 384, 512>}, {pipeline_mode = #tpu.pipeline_mode<synchronous>, transform_indices = @transform_7, window_bounds = array<i64: 1, 512>}, {pipeline_mode = #tpu.pipeline_mode<synchronous>, transform_indices = @transform_8, window_bounds = array<i64: 256, 7>}, {pipeline_mode = #tpu.pipeline_mode<synchronous>, transform_indices = @transform_9, window_bounds = array<i64: 1, 7>}, {pipeline_mode = #tpu.pipeline_mode<synchronous>, transform_indices = @transform_10, window_bounds = array<i64: 1024, 7>}]} {
    %eq3A = arith.constant 0 : i32
    %eq3A_0 = arith.cmpi eq, %arg0, %eq3A : i32
    %convert_element_type3A = arith.extui %eq3A_0 : i1 to i32
    %cond3A = arith.constant 0 : i32
    %cond3A_1 = arith.cmpi ne, %convert_element_type3A, %cond3A : i32
    scf.if %cond3A_1 {
      %broadcast_in_dim3A = arith.constant 0.000000e+00 : bf16
      %broadcast_in_dim3A_126 = vector.broadcast %broadcast_in_dim3A : bf16 to vector<1024x128xbf16>
      %swap3A_127 = arith.constant 0 : index
      %swap3A_128 = arith.constant 0 : index
      %swap3A_129 = vector.load %arg12[%swap3A_127, %swap3A_128] : memref<1024x128xbf16, #tpu.memory_space<vmem>>, vector<1024x128xbf16>
      tpu.vector_store %arg12[%swap3A_127, %swap3A_128], %broadcast_in_dim3A_126 {strides = array<i32>} : memref<1024x128xbf16, #tpu.memory_space<vmem>>, vector<1024x128xbf16>,
      %broadcast_in_dim3A_130 = arith.constant 0.000000e+00 : f32
      %broadcast_in_dim3A_131 = vector.broadcast %broadcast_in_dim3A_130 : f32 to vector<1024x128xf32>
      %swap3A_132 = arith.constant 0 : index
      %swap3A_133 = arith.constant 0 : index
      %swap3A_134 = vector.load %arg13[%swap3A_132, %swap3A_133] : memref<1024x128xf32, #tpu.memory_space<vmem>>, vector<1024x128xf32>
      tpu.vector_store %arg13[%swap3A_132, %swap3A_133], %broadcast_in_dim3A_131 {strides = array<i32>} : memref<1024x128xf32, #tpu.memory_space<vmem>>, vector<1024x128xf32>,
      %broadcast_in_dim3A_135 = arith.constant 0.000000e+00 : bf16
      %broadcast_in_dim3A_136 = vector.broadcast %broadcast_in_dim3A_135 : bf16 to vector<1024x128xbf16>
      %swap3A_137 = arith.constant 0 : index
      %swap3A_138 = arith.constant 0 : index
      %swap3A_139 = vector.load %arg14[%swap3A_137, %swap3A_138] : memref<1024x128xbf16, #tpu.memory_space<vmem>>, vector<1024x128xbf16>
      tpu.vector_store %arg14[%swap3A_137, %swap3A_138], %broadcast_in_dim3A_136 {strides = array<i32>} : memref<1024x128xbf16, #tpu.memory_space<vmem>>, vector<1024x128xbf16>,
      %broadcast_in_dim3A_140 = arith.constant 0.000000e+00 : f32
      %broadcast_in_dim3A_141 = vector.broadcast %broadcast_in_dim3A_140 : f32 to vector<1024x128xf32>
      %swap3A_142 = arith.constant 0 : index
      %swap3A_143 = arith.constant 0 : index
      %swap3A_144 = vector.load %arg15[%swap3A_142, %swap3A_143] : memref<1024x128xf32, #tpu.memory_space<vmem>>, vector<1024x128xf32>
      tpu.vector_store %arg15[%swap3A_142, %swap3A_143], %broadcast_in_dim3A_141 {strides = array<i32>} : memref<1024x128xf32, #tpu.memory_space<vmem>>, vector<1024x128xf32>,
    } else {
    }
    %get3A = arith.constant 0 : index
    %get3A_2 = arith.constant 0 : index
    %get3A_3 = vector.load %arg1[%get3A, %get3A_2] : memref<1024x128xbf16, #tpu.memory_space<vmem>>, vector<1024x128xbf16>
    %get3A_4 = arith.constant 0 : index
    %get3A_5 = arith.constant 0 : index
    %get3A_6 = vector.load %arg2[%get3A_4, %get3A_5] : memref<1024x128xbf16, #tpu.memory_space<vmem>>, vector<1024x128xbf16>
    %get3A_7 = arith.constant 0 : index
    %get3A_8 = arith.constant 0 : index
    %get3A_9 = vector.load %arg12[%get3A_7, %get3A_8] : memref<1024x128xbf16, #tpu.memory_space<vmem>>, vector<1024x128xbf16>
    %concatenate3A = tpu.concatenate %get3A_3, %get3A_6, %get3A_9 in 1 : vector<1024x128xbf16>, vector<1024x128xbf16>, vector<1024x128xbf16> -> vector<1024x384xbf16>
    %get3A_10 = arith.constant 0 : index
    %get3A_11 = arith.constant 0 : index
    %get3A_12 = vector.load %arg5[%get3A_10, %get3A_11] : memref<384x512xbf16, #tpu.memory_space<vmem>>, vector<384x512xbf16>
    %dot_general3A = arith.constant dense<0.000000e+00> : vector<1024x512xf32>
    %dot_general3A_13 = tpu.matmul %concatenate3A, %get3A_12, %dot_general3A {dimension_numbers = #tpu.dot_dimension_numbers<[1], [0], [0], [1], [0, 0, 1, 1], [], []>, transpose_lhs_hint = false} : vector<1024x384xbf16>, vector<384x512xbf16>, vector<1024x512xf32> -> vector<1024x512xf32>
    %get3A_14 = arith.constant 0 : index
    %get3A_15 = arith.constant 0 : index
    %get3A_16 = vector.load %arg6[%get3A_14, %get3A_15] : memref<1x512xf32, #tpu.memory_space<vmem>>, vector<1x512xf32>
    %add3A = vector.broadcast %get3A_16 : vector<1x512xf32> to vector<1024x512xf32>
    %add3A_17 = arith.addf %dot_general3A_13, %add3A : vector<1024x512xf32>
    %slice3A = vector.extract_strided_slice %add3A_17 {offsets = [0, 0], sizes = [1024, 128], strides = [1, 1]} : vector<1024x512xf32> to vector<1024x128xf32>
    %tanh3A = math.tanh %slice3A : vector<1024x128xf32>
    %mul3A = arith.constant 5.000000e-01 : f32
    %mul3A_18 = vector.broadcast %mul3A : f32 to vector<1024x128xf32>
    %mul3A_19 = arith.mulf %mul3A_18, %tanh3A : vector<1024x128xf32>
    %add3A_20 = arith.constant 5.000000e-01 : f32
    %add3A_21 = vector.broadcast %add3A_20 : f32 to vector<1024x128xf32>
    %add3A_22 = arith.addf %mul3A_19, %add3A_21 : vector<1024x128xf32>
    %slice3A_23 = vector.extract_strided_slice %add3A_17 {offsets = [0, 128], sizes = [1024, 128], strides = [1, 1]} : vector<1024x512xf32> to vector<1024x128xf32>
    %tanh3A_24 = math.tanh %slice3A_23 : vector<1024x128xf32>
    %mul3A_25 = arith.constant 5.000000e-01 : f32
    %mul3A_26 = vector.broadcast %mul3A_25 : f32 to vector<1024x128xf32>
    %mul3A_27 = arith.mulf %mul3A_26, %tanh3A_24 : vector<1024x128xf32>
    %add3A_28 = arith.constant 5.000000e-01 : f32
    %add3A_29 = vector.broadcast %add3A_28 : f32 to vector<1024x128xf32>
    %add3A_30 = arith.addf %mul3A_27, %add3A_29 : vector<1024x128xf32>
    %slice3A_31 = vector.extract_strided_slice %add3A_17 {offsets = [0, 256], sizes = [1024, 128], strides = [1, 1]} : vector<1024x512xf32> to vector<1024x128xf32>
    %tanh3A_32 = math.tanh %slice3A_31 : vector<1024x128xf32>
    %slice3A_33 = vector.extract_strided_slice %add3A_17 {offsets = [0, 384], sizes = [1024, 128], strides = [1, 1]} : vector<1024x512xf32> to vector<1024x128xf32>
    %tanh3A_34 = math.tanh %slice3A_33 : vector<1024x128xf32>
    %mul3A_35 = arith.constant 5.000000e-01 : f32
    %mul3A_36 = vector.broadcast %mul3A_35 : f32 to vector<1024x128xf32>
    %mul3A_37 = arith.mulf %mul3A_36, %tanh3A_34 : vector<1024x128xf32>
    %add3A_38 = arith.constant 5.000000e-01 : f32
    %add3A_39 = vector.broadcast %add3A_38 : f32 to vector<1024x128xf32>
    %add3A_40 = arith.addf %mul3A_37, %add3A_39 : vector<1024x128xf32>
    %get3A_41 = arith.constant 0 : index
    %get3A_42 = arith.constant 0 : index
    %get3A_43 = vector.load %arg13[%get3A_41, %get3A_42] : memref<1024x128xf32, #tpu.memory_space<vmem>>, vector<1024x128xf32>
    %mul3A_44 = arith.mulf %add3A_30, %get3A_43 : vector<1024x128xf32>
    %mul3A_45 = arith.mulf %add3A_22, %tanh3A_32 : vector<1024x128xf32>
    %add3A_46 = arith.addf %mul3A_44, %mul3A_45 : vector<1024x128xf32>
    %tanh3A_47 = math.tanh %add3A_46 : vector<1024x128xf32>
    %mul3A_48 = arith.mulf %add3A_40, %tanh3A_47 : vector<1024x128xf32>
    %convert_element_type3A_49 = arith.truncf %mul3A_48 : vector<1024x128xf32> to vector<1024x128xbf16>
    %swap3A = arith.constant 0 : index
    %swap3A_50 = arith.constant 0 : index
    %swap3A_51 = vector.load %arg12[%swap3A, %swap3A_50] : memref<1024x128xbf16, #tpu.memory_space<vmem>>, vector<1024x128xbf16>
    tpu.vector_store %arg12[%swap3A, %swap3A_50], %convert_element_type3A_49 {strides = array<i32>} : memref<1024x128xbf16, #tpu.memory_space<vmem>>, vector<1024x128xbf16>,
    %swap3A_52 = arith.constant 0 : index
    %swap3A_53 = arith.constant 0 : index
    %swap3A_54 = vector.load %arg13[%swap3A_52, %swap3A_53] : memref<1024x128xf32, #tpu.memory_space<vmem>>, vector<1024x128xf32>
    tpu.vector_store %arg13[%swap3A_52, %swap3A_53], %add3A_46 {strides = array<i32>} : memref<1024x128xf32, #tpu.memory_space<vmem>>, vector<1024x128xf32>,
    %get3A_55 = arith.constant 0 : index
    %get3A_56 = arith.constant 0 : index
    %get3A_57 = vector.load %arg3[%get3A_55, %get3A_56] : memref<1024x128xbf16, #tpu.memory_space<vmem>>, vector<1024x128xbf16>
    %get3A_58 = arith.constant 0 : index
    %get3A_59 = arith.constant 0 : index
    %get3A_60 = vector.load %arg4[%get3A_58, %get3A_59] : memref<1024x128xbf16, #tpu.memory_space<vmem>>, vector<1024x128xbf16>
    %get3A_61 = arith.constant 0 : index
    %get3A_62 = arith.constant 0 : index
    %get3A_63 = vector.load %arg14[%get3A_61, %get3A_62] : memref<1024x128xbf16, #tpu.memory_space<vmem>>, vector<1024x128xbf16>
    %concatenate3A_64 = tpu.concatenate %get3A_57, %get3A_60, %get3A_63 in 1 : vector<1024x128xbf16>, vector<1024x128xbf16>, vector<1024x128xbf16> -> vector<1024x384xbf16>
    %get3A_65 = arith.constant 0 : index
    %get3A_66 = arith.constant 0 : index
    %get3A_67 = vector.load %arg7[%get3A_65, %get3A_66] : memref<384x512xbf16, #tpu.memory_space<vmem>>, vector<384x512xbf16>
    %dot_general3A_68 = arith.constant dense<0.000000e+00> : vector<1024x512xf32>
    %dot_general3A_69 = tpu.matmul %concatenate3A_64, %get3A_67, %dot_general3A_68 {dimension_numbers = #tpu.dot_dimension_numbers<[1], [0], [0], [1], [0, 0, 1, 1], [], []>, transpose_lhs_hint = false} : vector<1024x384xbf16>, vector<384x512xbf16>, vector<1024x512xf32> -> vector<1024x512xf32>
    %get3A_70 = arith.constant 0 : index
    %get3A_71 = arith.constant 0 : index
    %get3A_72 = vector.load %arg8[%get3A_70, %get3A_71] : memref<1x512xf32, #tpu.memory_space<vmem>>, vector<1x512xf32>
    %add3A_73 = vector.broadcast %get3A_72 : vector<1x512xf32> to vector<1024x512xf32>
    %add3A_74 = arith.addf %dot_general3A_69, %add3A_73 : vector<1024x512xf32>
    %slice3A_75 = vector.extract_strided_slice %add3A_74 {offsets = [0, 0], sizes = [1024, 128], strides = [1, 1]} : vector<1024x512xf32> to vector<1024x128xf32>
    %tanh3A_76 = math.tanh %slice3A_75 : vector<1024x128xf32>
    %mul3A_77 = arith.constant 5.000000e-01 : f32
    %mul3A_78 = vector.broadcast %mul3A_77 : f32 to vector<1024x128xf32>
    %mul3A_79 = arith.mulf %mul3A_78, %tanh3A_76 : vector<1024x128xf32>
    %add3A_80 = arith.constant 5.000000e-01 : f32
    %add3A_81 = vector.broadcast %add3A_80 : f32 to vector<1024x128xf32>
    %add3A_82 = arith.addf %mul3A_79, %add3A_81 : vector<1024x128xf32>
    %slice3A_83 = vector.extract_strided_slice %add3A_74 {offsets = [0, 128], sizes = [1024, 128], strides = [1, 1]} : vector<1024x512xf32> to vector<1024x128xf32>
    %tanh3A_84 = math.tanh %slice3A_83 : vector<1024x128xf32>
    %mul3A_85 = arith.constant 5.000000e-01 : f32
    %mul3A_86 = vector.broadcast %mul3A_85 : f32 to vector<1024x128xf32>
    %mul3A_87 = arith.mulf %mul3A_86, %tanh3A_84 : vector<1024x128xf32>
    %add3A_88 = arith.constant 5.000000e-01 : f32
    %add3A_89 = vector.broadcast %add3A_88 : f32 to vector<1024x128xf32>
    %add3A_90 = arith.addf %mul3A_87, %add3A_89 : vector<1024x128xf32>
    %slice3A_91 = vector.extract_strided_slice %add3A_74 {offsets = [0, 256], sizes = [1024, 128], strides = [1, 1]} : vector<1024x512xf32> to vector<1024x128xf32>
    %tanh3A_92 = math.tanh %slice3A_91 : vector<1024x128xf32>
    %slice3A_93 = vector.extract_strided_slice %add3A_74 {offsets = [0, 384], sizes = [1024, 128], strides = [1, 1]} : vector<1024x512xf32> to vector<1024x128xf32>
    %tanh3A_94 = math.tanh %slice3A_93 : vector<1024x128xf32>
    %mul3A_95 = arith.constant 5.000000e-01 : f32
    %mul3A_96 = vector.broadcast %mul3A_95 : f32 to vector<1024x128xf32>
    %mul3A_97 = arith.mulf %mul3A_96, %tanh3A_94 : vector<1024x128xf32>
    %add3A_98 = arith.constant 5.000000e-01 : f32
    %add3A_99 = vector.broadcast %add3A_98 : f32 to vector<1024x128xf32>
    %add3A_100 = arith.addf %mul3A_97, %add3A_99 : vector<1024x128xf32>
    %get3A_101 = arith.constant 0 : index
    %get3A_102 = arith.constant 0 : index
    %get3A_103 = vector.load %arg15[%get3A_101, %get3A_102] : memref<1024x128xf32, #tpu.memory_space<vmem>>, vector<1024x128xf32>
    %mul3A_104 = arith.mulf %add3A_90, %get3A_103 : vector<1024x128xf32>
    %mul3A_105 = arith.mulf %add3A_82, %tanh3A_92 : vector<1024x128xf32>
    %add3A_106 = arith.addf %mul3A_104, %mul3A_105 : vector<1024x128xf32>
    %tanh3A_107 = math.tanh %add3A_106 : vector<1024x128xf32>
    %mul3A_108 = arith.mulf %add3A_100, %tanh3A_107 : vector<1024x128xf32>
    %convert_element_type3A_109 = arith.truncf %mul3A_108 : vector<1024x128xf32> to vector<1024x128xbf16>
    %swap3A_110 = arith.constant 0 : index
    %swap3A_111 = arith.constant 0 : index
    %swap3A_112 = vector.load %arg14[%swap3A_110, %swap3A_111] : memref<1024x128xbf16, #tpu.memory_space<vmem>>, vector<1024x128xbf16>
    tpu.vector_store %arg14[%swap3A_110, %swap3A_111], %convert_element_type3A_109 {strides = array<i32>} : memref<1024x128xbf16, #tpu.memory_space<vmem>>, vector<1024x128xbf16>,
    %swap3A_113 = arith.constant 0 : index
    %swap3A_114 = arith.constant 0 : index
    %swap3A_115 = vector.load %arg15[%swap3A_113, %swap3A_114] : memref<1024x128xf32, #tpu.memory_space<vmem>>, vector<1024x128xf32>
    tpu.vector_store %arg15[%swap3A_113, %swap3A_114], %add3A_106 {strides = array<i32>} : memref<1024x128xf32, #tpu.memory_space<vmem>>, vector<1024x128xf32>,
    %eq3A_116 = arith.constant 0 : i32
    %eq3A_117 = arith.cmpi eq, %arg0, %eq3A_116 : i32
    %convert_element_type3A_118 = arith.extui %eq3A_117 : i1 to i32
    %cond3A_119 = arith.constant 0 : i32
    %cond3A_120 = arith.cmpi ne, %convert_element_type3A_118, %cond3A_119 : i32
    scf.if %cond3A_120 {
      %swap3A_126 = arith.constant 0 : index
      %swap3A_127 = arith.constant 0 : index
      %swap3A_128 = vector.load %arg16[%swap3A_126, %swap3A_127] : memref<1024x128xf32, #tpu.memory_space<vmem>>, vector<1024x128xf32>
      tpu.vector_store %arg16[%swap3A_126, %swap3A_127], %mul3A_108 {strides = array<i32>} : memref<1024x128xf32, #tpu.memory_space<vmem>>, vector<1024x128xf32>,
    } else {
    }
    %eq3A_121 = arith.constant 49 : i32
    %eq3A_122 = arith.cmpi eq, %arg0, %eq3A_121 : i32
    %convert_element_type3A_123 = arith.extui %eq3A_122 : i1 to i32
    %cond3A_124 = arith.constant 0 : i32
    %cond3A_125 = arith.cmpi ne, %convert_element_type3A_123, %cond3A_124 : i32
    scf.if %cond3A_125 {
      %get3A_126 = arith.constant 0 : index
      %get3A_127 = arith.constant 0 : index
      %get3A_128 = vector.load %arg9[%get3A_126, %get3A_127] : memref<256x7xf32, #tpu.memory_space<vmem>>, vector<128x7xf32>
      %dot_general3A_129 = arith.constant dense<0.000000e+00> : vector<1024x7xf32>
      %dot_general3A_130 = tpu.matmul %mul3A_48, %get3A_128, %dot_general3A_129 {dimension_numbers = #tpu.dot_dimension_numbers<[1], [0], [0], [1], [0, 0, 1, 1], [], []>, transpose_lhs_hint = false} : vector<1024x128xf32>, vector<128x7xf32>, vector<1024x7xf32> -> vector<1024x7xf32>
      %get3A_131 = arith.constant 0 : index
      %get3A_132 = arith.constant 0 : index
      %get3A_133 = vector.load %arg16[%get3A_131, %get3A_132] : memref<1024x128xf32, #tpu.memory_space<vmem>>, vector<1024x128xf32>
      %get3A_134 = arith.constant 128 : index
      %get3A_135 = arith.constant 0 : index
      %get3A_136 = vector.load %arg9[%get3A_134, %get3A_135] : memref<256x7xf32, #tpu.memory_space<vmem>>, vector<128x7xf32>
      %dot_general3A_137 = arith.constant dense<0.000000e+00> : vector<1024x7xf32>
      %dot_general3A_138 = tpu.matmul %get3A_133, %get3A_136, %dot_general3A_137 {dimension_numbers = #tpu.dot_dimension_numbers<[1], [0], [0], [1], [0, 0, 1, 1], [], []>, transpose_lhs_hint = false} : vector<1024x128xf32>, vector<128x7xf32>, vector<1024x7xf32> -> vector<1024x7xf32>
      %add3A_139 = arith.addf %dot_general3A_130, %dot_general3A_138 : vector<1024x7xf32>
      %get3A_140 = arith.constant 0 : index
      %get3A_141 = arith.constant 0 : index
      %get3A_142 = vector.load %arg10[%get3A_140, %get3A_141] : memref<1x7xf32, #tpu.memory_space<vmem>>, vector<1x7xf32>
      %add3A_143 = vector.broadcast %get3A_142 : vector<1x7xf32> to vector<1024x7xf32>
      %add3A_144 = arith.addf %add3A_139, %add3A_143 : vector<1024x7xf32>
      %swap3A_145 = arith.constant 0 : index
      %swap3A_146 = arith.constant 0 : index
      %swap3A_147 = vector.load %arg11[%swap3A_145, %swap3A_146] : memref<1024x7xf32, #tpu.memory_space<vmem>>, vector<1024x7xf32>
      tpu.vector_store %arg11[%swap3A_145, %swap3A_146], %add3A_144 {strides = array<i32>} : memref<1024x7xf32, #tpu.memory_space<vmem>>, vector<1024x7xf32>,
    } else {
    }
    return
  }
  func.func @transform_0(%arg0: i32) -> (i32, i32) {
    %c0_i32 = arith.constant 0 : i32
    %c0_i32_0 = arith.constant 0 : i32
    return %arg0, %c0_i32 : i32, i32
  }
  func.func @transform_1(%arg0: i32) -> (i32, i32) {
    %c0_i32 = arith.constant 0 : i32
    %c0_i32_0 = arith.constant 0 : i32
    return %arg0, %c0_i32 : i32, i32
  }
  func.func @transform_2(%arg0: i32) -> (i32, i32) {
    %sub3A = arith.constant 49 : i32
    %sub3A_0 = arith.subi %sub3A, %arg0 : i32
    %c0_i32 = arith.constant 0 : i32
    %c0_i32_1 = arith.constant 0 : i32
    return %sub3A_0, %c0_i32 : i32, i32
  }
  func.func @transform_3(%arg0: i32) -> (i32, i32) {
    %sub3A = arith.constant 49 : i32
    %sub3A_0 = arith.subi %sub3A, %arg0 : i32
    %c0_i32 = arith.constant 0 : i32
    %c0_i32_1 = arith.constant 0 : i32
    return %sub3A_0, %c0_i32 : i32, i32
  }
  func.func @transform_4(%arg0: i32) -> (i32, i32) {
    %c0_i32 = arith.constant 0 : i32
    %c0_i32_0 = arith.constant 0 : i32
    %c0_i32_1 = arith.constant 0 : i32
    return %c0_i32, %c0_i32_0 : i32, i32
  }
  func.func @transform_5(%arg0: i32) -> (i32, i32) {
    %c0_i32 = arith.constant 0 : i32
    %c0_i32_0 = arith.constant 0 : i32
    %c0_i32_1 = arith.constant 0 : i32
    return %c0_i32, %c0_i32_0 : i32, i32
  }
  func.func @transform_6(%arg0: i32) -> (i32, i32) {
    %c0_i32 = arith.constant 0 : i32
    %c0_i32_0 = arith.constant 0 : i32
    %c0_i32_1 = arith.constant 0 : i32
    return %c0_i32, %c0_i32_0 : i32, i32
  }
  func.func @transform_7(%arg0: i32) -> (i32, i32) {
    %c0_i32 = arith.constant 0 : i32
    %c0_i32_0 = arith.constant 0 : i32
    %c0_i32_1 = arith.constant 0 : i32
    return %c0_i32, %c0_i32_0 : i32, i32
  }
  func.func @transform_8(%arg0: i32) -> (i32, i32) {
    %c0_i32 = arith.constant 0 : i32
    %c0_i32_0 = arith.constant 0 : i32
    %c0_i32_1 = arith.constant 0 : i32
    return %c0_i32, %c0_i32_0 : i32, i32
  }
  func.func @transform_9(%arg0: i32) -> (i32, i32) {
    %c0_i32 = arith.constant 0 : i32
    %c0_i32_0 = arith.constant 0 : i32
    %c0_i32_1 = arith.constant 0 : i32
    return %c0_i32, %c0_i32_0 : i32, i32
  }
  func.func @transform_10(%arg0: i32) -> (i32, i32) {
    %c0_i32 = arith.constant 0 : i32
    %c0_i32_0 = arith.constant 0 : i32
    %c0_i32_1 = arith.constant 0 : i32
    return %c0_i32, %c0_i32_0 : i32, i32
  }
}

</mosaic_0001>

<sc_bundles>
// kernel: kernel.6.cloned.1.call-start
scs
__scs_entry_jumppad:
0x0: {  	(pc) =	sbr.rel $0x88, $3  }
0x1: {  	(tag) =	ssettag $0x0;
	lr =	simm.s32 $0x1  }
0x2: {  	[smem:$0x3F8D] =	sst lr;
	_ =	strace $0xD0000000  }
0x3: {  	_ = 	snop  }
0x4: {  	_ = 	snop  }
0x5: {  	_ = 	snop  }
0x6: {  	_ = 	snop  }
0x7: {  	_ = 	snop  }
__scs_overlays_trampoline_lowered:
0x8: {  	[smem:$0x3F9C] =	sst s0  }
0x9: {  	[smem:$0x3F9D] =	sst s1  }
0xa: {  	[smem:$0x3F9E] =	sst s2  }
0xb: {  	[smem:$0x3F9F] =	sst s3  }
0xc: {  	[smem:$0x3FA0] =	sst s4  }
0xd: {  	[smem:$0x3FA1] =	sst s5  }
0xe: {  	[smem:$0x3FA2] =	sst s6  }
0xf: {  	[smem:$0x3FA3] =	sst s7  }
0x10: {  	[smem:$0x3FA4] =	sst s8  }
0x11: {  	[smem:$0x3FA5] =	sst s9;
	s0 =	simm.s32 @!p0 $0x0  }
0x12: {  	s1 =	sld [smem:$0x3F8B];
	s0 =	simm.s32 @p0 $0x1  }
0x13: {  	[smem:$0x3FA6] =	sst s0;
	s0 =	simm.s32 @!p1 $0x0  }
0x14: {  	s2 =	sld [smem:$0x3F8A];
	s0 =	simm.s32 @p1 $0x1  }
0x15: {  	[smem:$0x3FA7] =	sst s0;
	s0 =	simm.s32 @!p2 $0x0  }
0x16: {  	s3 =	sld [smem:$0x3FDB];
	s0 =	simm.s32 @p2 $0x1  }
0x17: {  	s4 =	simm.s32 $0x1BF5;
	[smem:$0x3FA9] =	sst s0  }
0x18: {  	s0 =	sld [smem:$0x3F8C];
	_ =	swait.ge [sflag:s4], $0x0  }
0x19: {  	s7 =	sld [smem:$0x3F8D]  }
0x1a: {  	s8 =	sadd.s32 $0xFFFFE003, lr  }
0x1b: {  	s9 =	sadd.s32 $0xFFFFFEF7, lr;
	s5 =	simm.s32 $0xFFFFFFFF;
	p2 =	slt.u32 s8, $0xFFFFF086  }
0x1c: {  	p1 =	slt.u32 s9, $0xF7A;
	s5 =	simm.s32 @!p2 $0x0  }
0x1d: {  	s5 =	simm.s32 @p1 $0x1;
	p0 =	seq.s32 s7, s2  }
0x1e: {  	s7 =	smul.u32 @!p0 $0xF7A, s2;
	p2 =	seq.s32 @!p0 s5, $0x0  }
0x1f: {  	s9 =	smul.u32 $0xF7A, s1;
	s8 =	simm.s32 @!p0 $0x1BF5;
	p2 =	por !p2, p0  }
0x20: {  	[sflag:s8] =	ssyncset.s32 @!p0 $0xFFFFF086;
	s6 =	sadd.s32 @!p0 s3, s7;
	s7 =	simm.s32 @!p0 $0x108  }
0x21: {  	s3 =	sadd.s32 s3, s9;
	s6 =	sadd.s32 @!p0 $0x88, s6;
	s7 =	simm.s32 @p2 $0x1082  }
0x22: {  	[simem:s7], [sflag:s8] =	dma.local @!p0 [hbm:s6], $0xF7A  }
0x23: {  	s9 =	sor.u32 $0xD0000000, s2;
	s6 =	simm.s32 $0x108;
	_ =	swait.ge @!p0 [sflag:s8], $0x0  }
0x24: {  	s3 =	sadd.s32 $0x88, s3;
	s6 =	simm.s32 @!p1 $0x1082;
	[sflag:s4] =	ssyncset.s32 $0xFFFFF086  }
0x25: {  	[simem:s6], [sflag:s4] =	dma.local [hbm:s3], $0xF7A  }
0x26: {  	[smem:$0x3F8D] =	sst s1;
	(tag) =	ssettag s2;
	_ =	strace s9  }
0x27: {  	s1 =	sld [smem:$0x3F9D]  }
0x28: {  	s2 =	sld [smem:$0x3F9E]  }
0x29: {  	s4 =	sld [smem:$0x3FA0]  }
0x2a: {  	p0 =	seq.s32 s5, $0x0;
	s5 =	sld [smem:$0x3FA1]  }
0x2b: {  	s6 =	sld [smem:$0x3FA2]  }
0x2c: {  	s7 =	sld [smem:$0x3FA3]  }
0x2d: {  	s3 =	simm.s32 $0x108;
	s8 =	sld [smem:$0x3FA4]  }
0x2e: {  	s3 =	simm.s32 @!p0 $0x1082;
	s9 =	sld [smem:$0x3FA5]  }
0x2f: {  	lr =	sadd.s32 s0, s3;
	s0 =	sld [smem:$0x3F9C]  }
0x30: {  	s3 =	sld [smem:$0x3F9F]  }
0x31: {  	[smem:$0x3FA8] =	sst s10  }
0x32: {  	s10 =	sld [smem:$0x3FA6];
	_ =	sdelay $0x3  }
0x33: {  	p0 =	seq.s32 s10, $0x1;
	s10 =	sld [smem:$0x3FA8];
	_ =	sdelay $0x3  }
0x34: {  	[smem:$0x3FA8] =	sst s10  }
0x35: {  	s10 =	sld [smem:$0x3FA7];
	_ =	sdelay $0x3  }
0x36: {  	p1 =	seq.s32 s10, $0x1;
	s10 =	sld [smem:$0x3FA8];
	_ =	sdelay $0x3  }
0x37: {  	[smem:$0x3FA8] =	sst s10  }
0x38: {  	s10 =	sld [smem:$0x3FA9]  }
0x39: {  	_ = 	snop;
	(pc) =	sbr.ind lr, $3  }
0x3a: {  	_ = 	snop  }
0x3b: {  	_ = 	snop  }
0x3c: {  	p2 =	seq.s32 s10, $0x1;
	s10 =	sld [smem:$0x3FA8]  }
0x3d: {  	_ =	shalt  }
0x3e: {  	_ =	shalt  }
0x3f: {  	_ =	shalt  }
0x40: {  	_ =	shalt  }
0x41: {  	_ =	shalt  }
0x42: {  	_ =	shalt  }
0x43: {  	_ =	shalt  }
0x44: {  	_ =	shalt  }
0x45: {  	_ =	shalt  }
0x46: {  	_ =	shalt  }
0x47: {  	_ =	shalt  }
0x48: {  	_ =	shalt  }
0x49: {  	_ =	shalt  }
0x4a: {  	_ =	shalt  }
0x4b: {  	_ =	shalt  }
0x4c: {  	_ =	shalt  }
0x4d: {  	_ =	shalt  }
0x4e: {  	_ =	shalt  }
0x4f: {  	_ =	shalt  }
0x50: {  	_ =	shalt  }
0x51: {  	_ =	shalt  }
0x52: {  	_ =	shalt  }
0x53: {  	_ =	shalt  }
0x54: {  	_ =	shalt  }
0x55: {  	_ =	shalt  }
0x56: {  	_ =	shalt  }
0x57: {  	_ =	shalt  }
0x58: {  	_ =	shalt  }
0x59: {  	_ =	shalt  }
0x5a: {  	_ =	shalt  }
0x5b: {  	_ =	shalt  }
0x5c: {  	_ =	shalt  }
0x5d: {  	_ =	shalt  }
0x5e: {  	_ =	shalt  }
0x5f: {  	_ =	shalt  }
0x60: {  	_ =	shalt  }
0x61: {  	_ =	shalt  }
0x62: {  	_ =	shalt  }
0x63: {  	_ =	shalt  }
0x64: {  	_ =	shalt  }
0x65: {  	_ =	shalt  }
0x66: {  	_ =	shalt  }
0x67: {  	_ =	shalt  }
0x68: {  	_ =	shalt  }
0x69: {  	_ =	shalt  }
0x6a: {  	_ =	shalt  }
0x6b: {  	_ =	shalt  }
0x6c: {  	_ =	shalt  }
0x6d: {  	_ =	shalt  }
0x6e: {  	_ =	shalt  }
0x6f: {  	_ =	shalt  }
0x70: {  	_ =	shalt  }
0x71: {  	_ =	shalt  }
0x72: {  	_ =	shalt  }
0x73: {  	_ =	shalt  }
0x74: {  	_ =	shalt  }
0x75: {  	_ =	shalt  }
0x76: {  	_ =	shalt  }
0x77: {  	_ =	shalt  }
0x78: {  	_ =	shalt  }
0x79: {  	_ =	shalt  }
0x7a: {  	_ =	shalt  }
0x7b: {  	_ =	shalt  }
0x7c: {  	_ =	shalt  }
0x7d: {  	_ =	shalt  }
0x7e: {  	_ =	shalt  }
0x7f: {  	_ =	shalt  }
0x80: {  	_ =	shalt  }
0x81: {  	_ =	shalt  }
0x82: {  	_ =	shalt  }
0x83: {  	_ =	shalt  }
0x84: {  	_ =	shalt  }
0x85: {  	_ =	shalt  }
0x86: {  	_ =	shalt  }
0x87: {  	_ =	shalt  }
.Lfunc_end0:
.L_simem_size_0:
called_computation_lowered:
.L_overlay_start_0:
0x88: {  	s2 =	sld [smem:$0x3FD9]  }
0x89: {  	s3 =	sld [smem:$0x3FFE];
	_ =	sdelay $0x1  }
0x8a: {  	s1 =	srdreg.scid  }
0x8b: {  	s0 =	sand.u32 $0x1, s1  }
0x8c: {  	s16 =	sshll.u32 s0, $0xA;
	s2 =	sadd.s32 s3, s2  }
0x8d: {  	s2 =	sadd.s32 s2, s16  }
0x8e: {  	[smem:$0x3FB4] =	sst s2  }
0x8f: {  	_ = 	snop  }
0x90: {  	(tm) =	ssettm $0x1  }
0x91: {  	s17 =	sld [smem:$0x3FFB];
	_ =	sdelay $0x3  }
0x92: {  	_ =	strace s17  }
0x93: {  	s2 =	sld [smem:$0x3FFC];
	_ =	sdelay $0x3  }
0x94: {  	_ =	strace s2  }
0x95: {  	s2 =	sld [smem:$0x3FFD];
	_ =	sdelay $0x3  }
0x96: {  	_ =	strace s2  }
0x97: {  	_ =	strace $0x8FFFFFFF  }
0x98: {  	s18 =	sld [smem:$0x3FDB];
	_ =	sdelay $0x1  }
0x99: {  	s19 =	simm.s32 $_scs_section_size  }
0x9a: {  	s4 =	simm.s32 $_size__tile_overlayer_lowered;
	s5 =	simm.s32 $_tile_overlayer_lowered  }
0x9b: {  	s22 =	simm.s32 $0x1BFF;
	s21 =	sshll.u32 s5, $0x1;
	s2 =	sadd.s32 s19, s18  }
0x9c: {  	s6 =	simm.s32 $0x0;
	s20 =	sshll.u32 s4, $0x1;
	s4 =	sadd.s32 s21, s2  }
0x9d: {  	[timem:s6], [sflag:s22] =	dma.local [hbm:s4], s20  }
0x9e: {  	_ =	swait.ge [sflag:s22], s20  }
0x9f: {  	s3 =	ssub.s32 $0x0, s20;
	[sflag:s22] =	ssyncset.done $0x0  }
0xa0: {  	[sflag:s22] =	ssyncadd.s32 s3;
	_ =	sdelay $0x1  }
0xa1: {  	s23 =	simm.s32 $0x1B8B  }
0xa2: {  	_ =	swait.ge [sflag:s23], $0x1  }
0xa3: {  	[sflag:s23] =	ssyncset.done $0x0  }
0xa4: {  	s25 =	simm.s32 $0x1B8E;
	s24 =	sld [smem:$0x3FFE];
	[sflag:s23] =	ssyncadd.s32 $0xFFFFFFFF  }
0xa5: {  	s26 =	simm.s32 $execute0_lowered;
	[smem:$0x3FD2] =	sst s25  }
0xa6: {  	s4 =	sshll.u32 s26, $0x1;
	_ =	strace $0x80000046;
	[dreg:$0x1] =	wrdreg $0xFFFFFFFF  }
0xa7: {  	s28 =	simm.s32 $_size_execute0_lowered;
	s2 =	sadd.s32 s2, s4;
	[dreg:$0x0] =	wrdreg $0x0  }
0xa8: {  	s4 =	sshll.u32 s28, $0x1;
	[dreg:$0x2] =	wrdreg s2  }
0xa9: {  	[dreg:$0x3] =	wrdreg s4  }
0xaa: {  	[dreg:$0x4] =	wrdreg $0xC0  }
0xab: {  	_ =	task [dreg:s6], $0x5FFFF  }
0xac: {  	[dreg:$0x1] =	wrdreg $0xFFFFFFFF  }
0xad: {  	[dreg:$0x0] =	wrdreg $0x60  }
0xae: {  	[dreg:$0x2] =	wrdreg s24  }
0xaf: {  	[dreg:$0x3] =	wrdreg $0x9  }
0xb0: {  	_ =	task.clear_ibuf [dreg:s6], $0x4FFFF;
	_ =	strace $0x90000046  }
0xb1: {  	s29 =	simm.s32 $0x9;
	_ =	strace $0x80000048  }
0xb2: {  	_ =	swait.ge [sflag:s29], $0x1  }
0xb3: {  	[sflag:s29] =	ssyncadd.s32 $0xFFFFFFFF  }
0xb4: {  	_ =	strace $0x90000048  }
0xb5: {  	_ =	sfence  }
0xb6: {  	s30 =	sld [smem:$0x0];
	_ =	sdelay $0x2  }
0xb7: {  	s31 =	sshll.u32 s1, $0xD;
	s1 =	sshrl.u32 s1, $0x2  }
0xb8: {  	s3 =	sand.u32 $0x4000, s31;
	s1 =	sadd.s32 s1, s30  }
0xb9: {  	s0 =	sor.u32 s3, s0;
	s1 =	sshll.u32 s1, $0x11  }
0xba: {  	s0 =	sor.u32 s1, s0  }
0xbb: {  	s0 =	sadd.s32 $0x8F2B, s0  }
0xbc: {  	[sflag:s0] =	ssyncadd.remote.s32 $0x1  }
0xbd: {  	_ =	sfence.sel $0xFFFF  }
0xbe: {  	[dreg:$0x0] =	wrdreg $0xFFFFFFFF;
	(pc) =	sbr.abs _section_cstart, $3  }
0xbf: {  	[dreg:$0x1] =	wrdreg $0xFFFFFFFF  }
0xc0: {  	_ =	task.clear_ibuf [dreg:s6], $0x2FFFF;
	_ =	strace $0x9FFFFFFF  }
0xc1: {  	(tm) =	ssettm $0x7FFFFFFF  }
tec
execute0_lowered:
.L_overlay_start_1:
0x0: {  	(tag) =	ssettag $0x1  }
0x1: {  	s0 =	srdreg.scid;
	s1 =	stileid.u32  }
0x2: {  	s0 =	sand.u32 $0x1, s0;
	s1 =	sshll.u32 s1, $0x1  }
0x3: {  	s1 =	sor.u32 s0, s1  }
0x4: {  	s4 =	smul.u32 $0xC8, s1  }
0x5: {  	s3 =	rddreg [dreg:$0x0];
	s2 =	simm.s32 $0x0;
	s5 =	smul.u32 $0x32000, s1  }
0x6: {  	s31 =	simm.s32 $0xA0;
	[smem:$0x7FF] =	sst s2;
	s1 =	smul.u32 $0x6400, s1  }
0x7: {  	s6 =	sadd.s32 $0x18B800, s3;
	_ =	strace $0x80000047  }
0x8: {  	s4 =	sadd.s32 s4, s3;
	s5 =	sshrl.u32 s5, $0x3;
	s1 =	sadd.s32 s6, s1  }
0x9: {  	s4 =	sadd.s32 $0x189E00, s4;
	s9 =	sadd.s32 s6, s5;
	[dreg:$0x3] =	wrdreg s1  }
0xa: {  	s8 =	simm.s32 $0x2;
	[dreg:$0x2] =	wrdreg s4;
	s10 =	sadd.s32 $0x500, s9  }
0xb: {  	s30 =	simm.s32 $0xF0;
	s11 =	sadd.s32 $0xA00, s9;
	[dreg:$0x4] =	wrdreg s10  }
0xc: {  	s29 =	simm.s32 $0x140;
	s12 =	sadd.s32 $0xF00, s9;
	[dreg:$0x5] =	wrdreg s11  }
0xd: {  	s28 =	simm.s32 $0x190;
	s13 =	sadd.s32 $0x1400, s9;
	[dreg:$0x6] =	wrdreg s12  }
0xe: {  	p0 =	por $0x0, $0x0;
	s14 =	sadd.s32 $0x1900, s9;
	[dreg:$0x7] =	wrdreg s13  }
0xf: {  	s0 =	ssub.s32 $0x2, s0;
	s15 =	sadd.s32 $0x1E00, s9;
	[dreg:$0x8] =	wrdreg s14  }
0x10: {  	s24 =	sshrl.u32 s0, $0x1;
	s16 =	sadd.s32 $0x2300, s9;
	[dreg:$0x9] =	wrdreg s15  }
0x11: {  	s0 =	ssub.s32 s0, s24;
	s17 =	sadd.s32 $0x2800, s9;
	[dreg:$0xa] =	wrdreg s16  }
0x12: {  	s24 =	simm.s32 $0x280;
	s18 =	sadd.s32 $0x2D00, s9;
	[dreg:$0xb] =	wrdreg s17  }
0x13: {  	s3 =	sadd.s32 $0x3400, s3;
	s19 =	sadd.s32 $0x3200, s9;
	[dreg:$0xc] =	wrdreg s18  }
0x14: {  	s0 =	smax.u32 s0, $0x1;
	s20 =	sadd.s32 $0x3700, s9;
	[dreg:$0xd] =	wrdreg s19  }
0x15: {  	s6 =	simm.s32 $0x2E80;
	s21 =	sadd.s32 $0x3C00, s9;
	[dreg:$0xe] =	wrdreg s20  }
0x16: {  	p1 =	sne.s32 s0, $0x1;
	s22 =	sadd.s32 $0x4100, s9;
	[dreg:$0xf] =	wrdreg s21  }
0x17: {  	s1 =	sadd.s32 $0xFFFFFFFF, s0;
	s23 =	sadd.s32 $0x4600, s9;
	[dreg:$0x10] =	wrdreg s22  }
0x18: {  	s25 =	sadd.s32 $0x4B00, s9;
	s26 =	sadd.s32 $0x5000, s9;
	[dreg:$0x11] =	wrdreg s23  }
0x19: {  	s7 =	sadd.s32 $0x5A00, s9;
	s5 =	sadd.s32 $0x5F00, s9;
	[dreg:$0x12] =	wrdreg s25  }
0x1a: {  	s4 =	simm.s32 $0x3;
	[dreg:$0x13] =	wrdreg s26;
	s10 =	sadd.s32 $0x5500, s9  }
0x1b: {  	s11 =	simm.s32 $0x50;
	s9 =	simm.s32 $0x680;
	s12 =	simm.s32 $0x1  }
.Ltmp0:
0x1c: {  	s26 =	simm.s32 $0x1E0;
	s25 =	simm.s32 $0x230;
	(pc) =	sbr.rel @!p1 .LBB2_3-.Ltmp0, $4  }
0x1d: {  	s23 =	simm.s32 $0x2D0;
	s22 =	simm.s32 $0x320;
	s21 =	simm.s32 $0x370  }
0x1e: {  	s20 =	simm.s32 $0x3C0;
	s19 =	simm.s32 $0x410;
	s18 =	simm.s32 $0x460  }
0x1f: {  	s17 =	simm.s32 $0x4B0;
	s16 =	simm.s32 $0x500;
	s15 =	simm.s32 $0x550  }
0x20: {  	s14 =	simm.s32 $0x5A0;
	s13 =	simm.s32 $0x5F0;
	s0 =	rddreg [dreg:$0x2]  }
0x21: {  	[tilespmem:s2], [sflag:$0x3] =	stream.linear.gather [hbm4b:s0+s2], $0x640, $0x38;
	[tilespmem:$0x5680] =	vst v63  }
0x22: {  	_ =	swait.ge [sflag:s4], $0x640  }
0x23: {  	[sflag:s4] =	ssyncset.done $0x0  }
0x24: {  	[sflag:s4] =	ssyncadd.s32 $0xFFFFF9C0  }
0x25: {  	[tilespmem:s9], [sflag:$0x1] =	stream.indirect.gather [hbm4b:s3+s11], $0x80, s2, s11, $0xb8;
	[tilespmem:$0x5680] =	vst v63  }
0x26: {  	_ = 	snop  }
0x27: {  	[tilespmem:s6], [sflag:$0x2] =	stream.indirect.gather [hbm4b:s3+s11], $0x80, s11, s11, $0xb8;
	[tilespmem:$0x5680] =	vst v63  }
0x28: {  	_ =	swait.ge [sflag:s12], $0x2800  }
0x29: {  	[sflag:s12] =	ssyncset.done $0x0  }
0x2a: {  	s0 =	rddreg [dreg:$0x3];
	[sflag:s12] =	ssyncadd.s32 $0xFFFFD800  }
0x2b: {  	[hbm4b:s0+s2] =	stream.linear.scatter [tilespmem:s9], [sflag:$0x3], $0x2800, $0x38;
	[tilespmem:$0x5680] =	vst v63  }
0x2c: {  	_ =	swait.ge [sflag:s4], $0x2800  }
0x2d: {  	[sflag:s4] =	ssyncset.done $0x0  }
0x2e: {  	[sflag:s4] =	ssyncadd.s32 $0xFFFFD800  }
0x2f: {  	[tilespmem:s9], [sflag:$0x1] =	stream.indirect.gather [hbm4b:s3+s11], $0x80, s31, s11, $0xb8;
	[tilespmem:$0x5680] =	vst v63  }
0x30: {  	_ =	swait.ge [sflag:s8], $0x2800  }
0x31: {  	[sflag:s8] =	ssyncset.done $0x0  }
0x32: {  	s0 =	rddreg [dreg:$0x4];
	[sflag:s8] =	ssyncadd.s32 $0xFFFFD800  }
0x33: {  	[hbm4b:s0+s2] =	stream.linear.scatter [tilespmem:s6], [sflag:$0x3], $0x2800, $0x38;
	[tilespmem:$0x5680] =	vst v63  }
0x34: {  	_ =	swait.ge [sflag:s4], $0x2800  }
0x35: {  	[sflag:s4] =	ssyncset.done $0x0  }
0x36: {  	[sflag:s4] =	ssyncadd.s32 $0xFFFFD800  }
0x37: {  	[tilespmem:s6], [sflag:$0x2] =	stream.indirect.gather [hbm4b:s3+s11], $0x80, s30, s11, $0xb8;
	[tilespmem:$0x5680] =	vst v63  }
0x38: {  	_ =	swait.ge [sflag:s12], $0x2800  }
0x39: {  	[sflag:s12] =	ssyncset.done $0x0  }
0x3a: {  	s0 =	rddreg [dreg:$0x5];
	[sflag:s12] =	ssyncadd.s32 $0xFFFFD800  }
0x3b: {  	[hbm4b:s0+s2] =	stream.linear.scatter [tilespmem:s9], [sflag:$0x3], $0x2800, $0x38;
	[tilespmem:$0x5680] =	vst v63  }
0x3c: {  	_ =	swait.ge [sflag:s4], $0x2800  }
0x3d: {  	[sflag:s4] =	ssyncset.done $0x0  }
0x3e: {  	[sflag:s4] =	ssyncadd.s32 $0xFFFFD800  }
0x3f: {  	[tilespmem:s9], [sflag:$0x1] =	stream.indirect.gather [hbm4b:s3+s11], $0x80, s29, s11, $0xb8;
	[tilespmem:$0x5680] =	vst v63  }
0x40: {  	_ =	swait.ge [sflag:s8], $0x2800  }
0x41: {  	[sflag:s8] =	ssyncset.done $0x0  }
0x42: {  	s0 =	rddreg [dreg:$0x6];
	[sflag:s8] =	ssyncadd.s32 $0xFFFFD800  }
0x43: {  	[hbm4b:s0+s2] =	stream.linear.scatter [tilespmem:s6], [sflag:$0x3], $0x2800, $0x38;
	[tilespmem:$0x5680] =	vst v63  }
0x44: {  	_ =	swait.ge [sflag:s4], $0x2800  }
0x45: {  	[sflag:s4] =	ssyncset.done $0x0  }
0x46: {  	[sflag:s4] =	ssyncadd.s32 $0xFFFFD800  }
0x47: {  	[tilespmem:s6], [sflag:$0x2] =	stream.indirect.gather [hbm4b:s3+s11], $0x80, s28, s11, $0xb8;
	[tilespmem:$0x5680] =	vst v63  }
0x48: {  	_ =	swait.ge [sflag:s12], $0x2800  }
0x49: {  	[sflag:s12] =	ssyncset.done $0x0  }
0x4a: {  	s0 =	rddreg [dreg:$0x7];
	[sflag:s12] =	ssyncadd.s32 $0xFFFFD800  }
0x4b: {  	[hbm4b:s0+s2] =	stream.linear.scatter [tilespmem:s9], [sflag:$0x3], $0x2800, $0x38;
	[tilespmem:$0x5680] =	vst v63  }
0x4c: {  	_ =	swait.ge [sflag:s4], $0x2800  }
0x4d: {  	[sflag:s4] =	ssyncset.done $0x0  }
0x4e: {  	[sflag:s4] =	ssyncadd.s32 $0xFFFFD800  }
0x4f: {  	[tilespmem:s9], [sflag:$0x1] =	stream.indirect.gather [hbm4b:s3+s11], $0x80, s26, s11, $0xb8;
	[tilespmem:$0x5680] =	vst v63  }
0x50: {  	_ =	swait.ge [sflag:s8], $0x2800  }
0x51: {  	[sflag:s8] =	ssyncset.done $0x0  }
0x52: {  	s0 =	rddreg [dreg:$0x8];
	[sflag:s8] =	ssyncadd.s32 $0xFFFFD800  }
0x53: {  	[hbm4b:s0+s2] =	stream.linear.scatter [tilespmem:s6], [sflag:$0x3], $0x2800, $0x38;
	[tilespmem:$0x5680] =	vst v63  }
0x54: {  	_ =	swait.ge [sflag:s4], $0x2800  }
0x55: {  	[sflag:s4] =	ssyncset.done $0x0  }
0x56: {  	[sflag:s4] =	ssyncadd.s32 $0xFFFFD800  }
0x57: {  	[tilespmem:s6], [sflag:$0x2] =	stream.indirect.gather [hbm4b:s3+s11], $0x80, s25, s11, $0xb8;
	[tilespmem:$0x5680] =	vst v63  }
0x58: {  	_ =	swait.ge [sflag:s12], $0x2800  }
0x59: {  	[sflag:s12] =	ssyncset.done $0x0  }
0x5a: {  	s0 =	rddreg [dreg:$0x9];
	[sflag:s12] =	ssyncadd.s32 $0xFFFFD800  }
0x5b: {  	[hbm4b:s0+s2] =	stream.linear.scatter [tilespmem:s9], [sflag:$0x3], $0x2800, $0x38;
	[tilespmem:$0x5680] =	vst v63  }
0x5c: {  	_ =	swait.ge [sflag:s4], $0x2800  }
0x5d: {  	[sflag:s4] =	ssyncset.done $0x0  }
0x5e: {  	[sflag:s4] =	ssyncadd.s32 $0xFFFFD800  }
0x5f: {  	[tilespmem:s9], [sflag:$0x1] =	stream.indirect.gather [hbm4b:s3+s11], $0x80, s24, s11, $0xb8;
	[tilespmem:$0x5680] =	vst v63  }
0x60: {  	_ =	swait.ge [sflag:s8], $0x2800  }
0x61: {  	[sflag:s8] =	ssyncset.done $0x0  }
0x62: {  	s0 =	rddreg [dreg:$0xa];
	[sflag:s8] =	ssyncadd.s32 $0xFFFFD800  }
0x63: {  	[hbm4b:s0+s2] =	stream.linear.scatter [tilespmem:s6], [sflag:$0x3], $0x2800, $0x38;
	[tilespmem:$0x5680] =	vst v63  }
0x64: {  	_ =	swait.ge [sflag:s4], $0x2800  }
0x65: {  	[sflag:s4] =	ssyncset.done $0x0  }
0x66: {  	[sflag:s4] =	ssyncadd.s32 $0xFFFFD800  }
0x67: {  	[tilespmem:s6], [sflag:$0x2] =	stream.indirect.gather [hbm4b:s3+s11], $0x80, s23, s11, $0xb8;
	[tilespmem:$0x5680] =	vst v63  }
0x68: {  	_ =	swait.ge [sflag:s12], $0x2800  }
0x69: {  	[sflag:s12] =	ssyncset.done $0x0  }
0x6a: {  	s0 =	rddreg [dreg:$0xb];
	[sflag:s12] =	ssyncadd.s32 $0xFFFFD800  }
0x6b: {  	[hbm4b:s0+s2] =	stream.linear.scatter [tilespmem:s9], [sflag:$0x3], $0x2800, $0x38;
	[tilespmem:$0x5680] =	vst v63  }
0x6c: {  	_ =	swait.ge [sflag:s4], $0x2800  }
0x6d: {  	[sflag:s4] =	ssyncset.done $0x0  }
0x6e: {  	[sflag:s4] =	ssyncadd.s32 $0xFFFFD800  }
0x6f: {  	[tilespmem:s9], [sflag:$0x1] =	stream.indirect.gather [hbm4b:s3+s11], $0x80, s22, s11, $0xb8;
	[tilespmem:$0x5680] =	vst v63  }
0x70: {  	_ =	swait.ge [sflag:s8], $0x2800  }
0x71: {  	[sflag:s8] =	ssyncset.done $0x0  }
0x72: {  	s0 =	rddreg [dreg:$0xc];
	[sflag:s8] =	ssyncadd.s32 $0xFFFFD800  }
0x73: {  	[hbm4b:s0+s2] =	stream.linear.scatter [tilespmem:s6], [sflag:$0x3], $0x2800, $0x38;
	[tilespmem:$0x5680] =	vst v63  }
0x74: {  	_ =	swait.ge [sflag:s4], $0x2800  }
0x75: {  	[sflag:s4] =	ssyncset.done $0x0  }
0x76: {  	[sflag:s4] =	ssyncadd.s32 $0xFFFFD800  }
0x77: {  	[tilespmem:s6], [sflag:$0x2] =	stream.indirect.gather [hbm4b:s3+s11], $0x80, s21, s11, $0xb8;
	[tilespmem:$0x5680] =	vst v63  }
0x78: {  	_ =	swait.ge [sflag:s12], $0x2800  }
0x79: {  	[sflag:s12] =	ssyncset.done $0x0  }
0x7a: {  	s0 =	rddreg [dreg:$0xd];
	[sflag:s12] =	ssyncadd.s32 $0xFFFFD800  }
0x7b: {  	[hbm4b:s0+s2] =	stream.linear.scatter [tilespmem:s9], [sflag:$0x3], $0x2800, $0x38;
	[tilespmem:$0x5680] =	vst v63  }
0x7c: {  	_ =	swait.ge [sflag:s4], $0x2800  }
0x7d: {  	[sflag:s4] =	ssyncset.done $0x0  }
0x7e: {  	[sflag:s4] =	ssyncadd.s32 $0xFFFFD800  }
0x7f: {  	[tilespmem:s9], [sflag:$0x1] =	stream.indirect.gather [hbm4b:s3+s11], $0x80, s20, s11, $0xb8;
	[tilespmem:$0x5680] =	vst v63  }
0x80: {  	_ =	swait.ge [sflag:s8], $0x2800  }
0x81: {  	[sflag:s8] =	ssyncset.done $0x0  }
0x82: {  	s0 =	rddreg [dreg:$0xe];
	[sflag:s8] =	ssyncadd.s32 $0xFFFFD800  }
0x83: {  	[hbm4b:s0+s2] =	stream.linear.scatter [tilespmem:s6], [sflag:$0x3], $0x2800, $0x38;
	[tilespmem:$0x5680] =	vst v63  }
0x84: {  	_ =	swait.ge [sflag:s4], $0x2800  }
0x85: {  	[sflag:s4] =	ssyncset.done $0x0  }
0x86: {  	[sflag:s4] =	ssyncadd.s32 $0xFFFFD800  }
0x87: {  	[tilespmem:s6], [sflag:$0x2] =	stream.indirect.gather [hbm4b:s3+s11], $0x80, s19, s11, $0xb8;
	[tilespmem:$0x5680] =	vst v63  }
0x88: {  	_ =	swait.ge [sflag:s12], $0x2800  }
0x89: {  	[sflag:s12] =	ssyncset.done $0x0  }
0x8a: {  	s0 =	rddreg [dreg:$0xf];
	[sflag:s12] =	ssyncadd.s32 $0xFFFFD800  }
0x8b: {  	[hbm4b:s0+s2] =	stream.linear.scatter [tilespmem:s9], [sflag:$0x3], $0x2800, $0x38;
	[tilespmem:$0x5680] =	vst v63  }
0x8c: {  	_ =	swait.ge [sflag:s4], $0x2800  }
0x8d: {  	[sflag:s4] =	ssyncset.done $0x0  }
0x8e: {  	[sflag:s4] =	ssyncadd.s32 $0xFFFFD800  }
0x8f: {  	[tilespmem:s9], [sflag:$0x1] =	stream.indirect.gather [hbm4b:s3+s11], $0x80, s18, s11, $0xb8;
	[tilespmem:$0x5680] =	vst v63  }
0x90: {  	_ =	swait.ge [sflag:s8], $0x2800  }
0x91: {  	[sflag:s8] =	ssyncset.done $0x0  }
0x92: {  	s0 =	rddreg [dreg:$0x10];
	[sflag:s8] =	ssyncadd.s32 $0xFFFFD800  }
0x93: {  	[hbm4b:s0+s2] =	stream.linear.scatter [tilespmem:s6], [sflag:$0x3], $0x2800, $0x38;
	[tilespmem:$0x5680] =	vst v63  }
0x94: {  	_ =	swait.ge [sflag:s4], $0x2800  }
0x95: {  	[sflag:s4] =	ssyncset.done $0x0  }
0x96: {  	[sflag:s4] =	ssyncadd.s32 $0xFFFFD800  }
0x97: {  	[tilespmem:s6], [sflag:$0x2] =	stream.indirect.gather [hbm4b:s3+s11], $0x80, s17, s11, $0xb8;
	[tilespmem:$0x5680] =	vst v63  }
0x98: {  	_ =	swait.ge [sflag:s12], $0x2800  }
0x99: {  	[sflag:s12] =	ssyncset.done $0x0  }
0x9a: {  	s0 =	rddreg [dreg:$0x11];
	[sflag:s12] =	ssyncadd.s32 $0xFFFFD800  }
0x9b: {  	[hbm4b:s0+s2] =	stream.linear.scatter [tilespmem:s9], [sflag:$0x3], $0x2800, $0x38;
	[tilespmem:$0x5680] =	vst v63  }
0x9c: {  	_ =	swait.ge [sflag:s4], $0x2800  }
0x9d: {  	[sflag:s4] =	ssyncset.done $0x0  }
0x9e: {  	[sflag:s4] =	ssyncadd.s32 $0xFFFFD800  }
0x9f: {  	[tilespmem:s9], [sflag:$0x1] =	stream.indirect.gather [hbm4b:s3+s11], $0x80, s16, s11, $0xb8;
	[tilespmem:$0x5680] =	vst v63  }
0xa0: {  	_ =	swait.ge [sflag:s8], $0x2800  }
0xa1: {  	[sflag:s8] =	ssyncset.done $0x0  }
0xa2: {  	s0 =	rddreg [dreg:$0x12];
	[sflag:s8] =	ssyncadd.s32 $0xFFFFD800  }
0xa3: {  	[hbm4b:s0+s2] =	stream.linear.scatter [tilespmem:s6], [sflag:$0x3], $0x2800, $0x38;
	[tilespmem:$0x5680] =	vst v63  }
0xa4: {  	_ =	swait.ge [sflag:s4], $0x2800  }
0xa5: {  	[sflag:s4] =	ssyncset.done $0x0  }
0xa6: {  	[sflag:s4] =	ssyncadd.s32 $0xFFFFD800  }
0xa7: {  	[tilespmem:s6], [sflag:$0x2] =	stream.indirect.gather [hbm4b:s3+s11], $0x80, s15, s11, $0xb8;
	[tilespmem:$0x5680] =	vst v63  }
0xa8: {  	_ =	swait.ge [sflag:s12], $0x2800  }
0xa9: {  	[sflag:s12] =	ssyncset.done $0x0  }
0xaa: {  	s0 =	rddreg [dreg:$0x13];
	[sflag:s12] =	ssyncadd.s32 $0xFFFFD800  }
0xab: {  	[hbm4b:s0+s2] =	stream.linear.scatter [tilespmem:s9], [sflag:$0x3], $0x2800, $0x38;
	[tilespmem:$0x5680] =	vst v63  }
0xac: {  	_ =	swait.ge [sflag:s4], $0x2800  }
0xad: {  	[sflag:s4] =	ssyncset.done $0x0  }
0xae: {  	[sflag:s4] =	ssyncadd.s32 $0xFFFFD800  }
0xaf: {  	[tilespmem:s9], [sflag:$0x1] =	stream.indirect.gather [hbm4b:s3+s11], $0x80, s14, s11, $0xb8;
	[tilespmem:$0x5680] =	vst v63  }
0xb0: {  	_ =	swait.ge [sflag:s8], $0x2800  }
0xb1: {  	[sflag:s8] =	ssyncset.done $0x0  }
0xb2: {  	[sflag:s8] =	ssyncadd.s32 $0xFFFFD800  }
0xb3: {  	[hbm4b:s10+s2] =	stream.linear.scatter [tilespmem:s6], [sflag:$0x3], $0x2800, $0x38;
	[tilespmem:$0x5680] =	vst v63  }
0xb4: {  	_ =	swait.ge [sflag:s4], $0x2800  }
0xb5: {  	[sflag:s4] =	ssyncset.done $0x0  }
0xb6: {  	[sflag:s4] =	ssyncadd.s32 $0xFFFFD800  }
0xb7: {  	[tilespmem:s6], [sflag:$0x2] =	stream.indirect.gather [hbm4b:s3+s11], $0x80, s13, s11, $0xb8;
	[tilespmem:$0x5680] =	vst v63  }
0xb8: {  	_ =	swait.ge [sflag:s12], $0x2800  }
0xb9: {  	[sflag:s12] =	ssyncset.done $0x0  }
0xba: {  	[sflag:s12] =	ssyncadd.s32 $0xFFFFD800  }
0xbb: {  	[hbm4b:s7+s2] =	stream.linear.scatter [tilespmem:s9], [sflag:$0x3], $0x2800, $0x38;
	[tilespmem:$0x5680] =	vst v63  }
0xbc: {  	_ =	swait.ge [sflag:s4], $0x2800  }
0xbd: {  	[sflag:s4] =	ssyncset.done $0x0  }
0xbe: {  	[sflag:s4] =	ssyncadd.s32 $0xFFFFD800  }
0xbf: {  	p1 =	sne.s32 s1, $0x1;
	_ =	swait.ge [sflag:s8], $0x2800  }
.Ltmp1:
0xc0: {  	[sflag:s8] =	ssyncset.done $0x0;
	(pc) =	sbr.rel @!p1 .LBB2_3-.Ltmp1, $4  }
0xc1: {  	[sflag:s8] =	ssyncadd.s32 $0xFFFFD800  }
0xc2: {  	[hbm4b:s5+s2] =	stream.linear.scatter [tilespmem:s6], [sflag:$0x3], $0x2800, $0x38;
	[tilespmem:$0x5680] =	vst v63  }
0xc3: {  	s1 =	sadd.s32 $0xFFFFFFFF, s1;
	_ =	swait.ge [sflag:s4], $0x2800  }
0xc4: {  	p0 =	por $0x1, $0x1;
	s0 =	rddreg [dreg:$0x2];
	[sflag:s4] =	ssyncset.done $0x0  }
.LBB2_2:
0xc5: {  	[sflag:s4] =	ssyncadd.s32 $0xFFFFD800  }
0xc6: {  	[tilespmem:s2], [sflag:$0x3] =	stream.linear.gather [hbm4b:s0+s2], $0x640, $0x38;
	[tilespmem:$0x5680] =	vst v63  }
0xc7: {  	_ =	swait.ge [sflag:s4], $0x640  }
0xc8: {  	[sflag:s4] =	ssyncset.done $0x0  }
0xc9: {  	[sflag:s4] =	ssyncadd.s32 $0xFFFFF9C0  }
0xca: {  	[tilespmem:s9], [sflag:$0x1] =	stream.indirect.gather [hbm4b:s3+s11], $0x80, s2, s11, $0xb8;
	[tilespmem:$0x5680] =	vst v63  }
0xcb: {  	_ = 	snop  }
0xcc: {  	[tilespmem:s6], [sflag:$0x2] =	stream.indirect.gather [hbm4b:s3+s11], $0x80, s11, s11, $0xb8;
	[tilespmem:$0x5680] =	vst v63  }
0xcd: {  	_ =	swait.ge [sflag:s12], $0x2800  }
0xce: {  	[sflag:s12] =	ssyncset.done $0x0  }
0xcf: {  	s0 =	rddreg [dreg:$0x3];
	[sflag:s12] =	ssyncadd.s32 $0xFFFFD800  }
0xd0: {  	[hbm4b:s0+s2] =	stream.linear.scatter [tilespmem:s9], [sflag:$0x3], $0x2800, $0x38;
	[tilespmem:$0x5680] =	vst v63  }
0xd1: {  	_ =	swait.ge [sflag:s4], $0x2800  }
0xd2: {  	[sflag:s4] =	ssyncset.done $0x0  }
0xd3: {  	[sflag:s4] =	ssyncadd.s32 $0xFFFFD800  }
0xd4: {  	[tilespmem:s9], [sflag:$0x1] =	stream.indirect.gather [hbm4b:s3+s11], $0x80, s31, s11, $0xb8;
	[tilespmem:$0x5680] =	vst v63  }
0xd5: {  	_ =	swait.ge [sflag:s8], $0x2800  }
0xd6: {  	[sflag:s8] =	ssyncset.done $0x0  }
0xd7: {  	s0 =	rddreg [dreg:$0x4];
	[sflag:s8] =	ssyncadd.s32 $0xFFFFD800  }
0xd8: {  	[hbm4b:s0+s2] =	stream.linear.scatter [tilespmem:s6], [sflag:$0x3], $0x2800, $0x38;
	[tilespmem:$0x5680] =	vst v63  }
0xd9: {  	_ =	swait.ge [sflag:s4], $0x2800  }
0xda: {  	[sflag:s4] =	ssyncset.done $0x0  }
0xdb: {  	[sflag:s4] =	ssyncadd.s32 $0xFFFFD800  }
0xdc: {  	[tilespmem:s6], [sflag:$0x2] =	stream.indirect.gather [hbm4b:s3+s11], $0x80, s30, s11, $0xb8;
	[tilespmem:$0x5680] =	vst v63  }
0xdd: {  	_ =	swait.ge [sflag:s12], $0x2800  }
0xde: {  	[sflag:s12] =	ssyncset.done $0x0  }
0xdf: {  	s0 =	rddreg [dreg:$0x5];
	[sflag:s12] =	ssyncadd.s32 $0xFFFFD800  }
0xe0: {  	[hbm4b:s0+s2] =	stream.linear.scatter [tilespmem:s9], [sflag:$0x3], $0x2800, $0x38;
	[tilespmem:$0x5680] =	vst v63  }
0xe1: {  	_ =	swait.ge [sflag:s4], $0x2800  }
0xe2: {  	[sflag:s4] =	ssyncset.done $0x0  }
0xe3: {  	[sflag:s4] =	ssyncadd.s32 $0xFFFFD800  }
0xe4: {  	[tilespmem:s9], [sflag:$0x1] =	stream.indirect.gather [hbm4b:s3+s11], $0x80, s29, s11, $0xb8;
	[tilespmem:$0x5680] =	vst v63  }
0xe5: {  	_ =	swait.ge [sflag:s8], $0x2800  }
0xe6: {  	[sflag:s8] =	ssyncset.done $0x0  }
0xe7: {  	s0 =	rddreg [dreg:$0x6];
	[sflag:s8] =	ssyncadd.s32 $0xFFFFD800  }
0xe8: {  	[hbm4b:s0+s2] =	stream.linear.scatter [tilespmem:s6], [sflag:$0x3], $0x2800, $0x38;
	[tilespmem:$0x5680] =	vst v63  }
0xe9: {  	_ =	swait.ge [sflag:s4], $0x2800  }
0xea: {  	[sflag:s4] =	ssyncset.done $0x0  }
0xeb: {  	[sflag:s4] =	ssyncadd.s32 $0xFFFFD800  }
0xec: {  	[tilespmem:s6], [sflag:$0x2] =	stream.indirect.gather [hbm4b:s3+s11], $0x80, s28, s11, $0xb8;
	[tilespmem:$0x5680] =	vst v63  }
0xed: {  	_ =	swait.ge [sflag:s12], $0x2800  }
0xee: {  	[sflag:s12] =	ssyncset.done $0x0  }
0xef: {  	s0 =	rddreg [dreg:$0x7];
	[sflag:s12] =	ssyncadd.s32 $0xFFFFD800  }
0xf0: {  	[hbm4b:s0+s2] =	stream.linear.scatter [tilespmem:s9], [sflag:$0x3], $0x2800, $0x38;
	[tilespmem:$0x5680] =	vst v63  }
0xf1: {  	_ =	swait.ge [sflag:s4], $0x2800  }
0xf2: {  	[sflag:s4] =	ssyncset.done $0x0  }
0xf3: {  	[sflag:s4] =	ssyncadd.s32 $0xFFFFD800  }
0xf4: {  	[tilespmem:s9], [sflag:$0x1] =	stream.indirect.gather [hbm4b:s3+s11], $0x80, s26, s11, $0xb8;
	[tilespmem:$0x5680] =	vst v63  }
0xf5: {  	_ =	swait.ge [sflag:s8], $0x2800  }
0xf6: {  	[sflag:s8] =	ssyncset.done $0x0  }
0xf7: {  	s0 =	rddreg [dreg:$0x8];
	[sflag:s8] =	ssyncadd.s32 $0xFFFFD800  }
0xf8: {  	[hbm4b:s0+s2] =	stream.linear.scatter [tilespmem:s6], [sflag:$0x3], $0x2800, $0x38;
	[tilespmem:$0x5680] =	vst v63  }
0xf9: {  	_ =	swait.ge [sflag:s4], $0x2800  }
0xfa: {  	[sflag:s4] =	ssyncset.done $0x0  }
0xfb: {  	[sflag:s4] =	ssyncadd.s32 $0xFFFFD800  }
0xfc: {  	[tilespmem:s6], [sflag:$0x2] =	stream.indirect.gather [hbm4b:s3+s11], $0x80, s25, s11, $0xb8;
	[tilespmem:$0x5680] =	vst v63  }
0xfd: {  	_ =	swait.ge [sflag:s12], $0x2800  }
0xfe: {  	[sflag:s12] =	ssyncset.done $0x0  }
0xff: {  	s0 =	rddreg [dreg:$0x9];
	[sflag:s12] =	ssyncadd.s32 $0xFFFFD800  }
0x100: {  	[hbm4b:s0+s2] =	stream.linear.scatter [tilespmem:s9], [sflag:$0x3], $0x2800, $0x38;
	[tilespmem:$0x5680] =	vst v63  }
0x101: {  	_ =	swait.ge [sflag:s4], $0x2800  }
0x102: {  	[sflag:s4] =	ssyncset.done $0x0  }
0x103: {  	[sflag:s4] =	ssyncadd.s32 $0xFFFFD800  }
0x104: {  	[tilespmem:s9], [sflag:$0x1] =	stream.indirect.gather [hbm4b:s3+s11], $0x80, s24, s11, $0xb8;
	[tilespmem:$0x5680] =	vst v63  }
0x105: {  	_ =	swait.ge [sflag:s8], $0x2800  }
0x106: {  	[sflag:s8] =	ssyncset.done $0x0  }
0x107: {  	s0 =	rddreg [dreg:$0xa];
	[sflag:s8] =	ssyncadd.s32 $0xFFFFD800  }
0x108: {  	[hbm4b:s0+s2] =	stream.linear.scatter [tilespmem:s6], [sflag:$0x3], $0x2800, $0x38;
	[tilespmem:$0x5680] =	vst v63  }
0x109: {  	_ =	swait.ge [sflag:s4], $0x2800  }
0x10a: {  	[sflag:s4] =	ssyncset.done $0x0  }
0x10b: {  	[sflag:s4] =	ssyncadd.s32 $0xFFFFD800  }
0x10c: {  	[tilespmem:s6], [sflag:$0x2] =	stream.indirect.gather [hbm4b:s3+s11], $0x80, s23, s11, $0xb8;
	[tilespmem:$0x5680] =	vst v63  }
0x10d: {  	_ =	swait.ge [sflag:s12], $0x2800  }
0x10e: {  	[sflag:s12] =	ssyncset.done $0x0  }
0x10f: {  	s0 =	rddreg [dreg:$0xb];
	[sflag:s12] =	ssyncadd.s32 $0xFFFFD800  }
0x110: {  	[hbm4b:s0+s2] =	stream.linear.scatter [tilespmem:s9], [sflag:$0x3], $0x2800, $0x38;
	[tilespmem:$0x5680] =	vst v63  }
0x111: {  	_ =	swait.ge [sflag:s4], $0x2800  }
0x112: {  	[sflag:s4] =	ssyncset.done $0x0  }
0x113: {  	[sflag:s4] =	ssyncadd.s32 $0xFFFFD800  }
0x114: {  	[tilespmem:s9], [sflag:$0x1] =	stream.indirect.gather [hbm4b:s3+s11], $0x80, s22, s11, $0xb8;
	[tilespmem:$0x5680] =	vst v63  }
0x115: {  	_ =	swait.ge [sflag:s8], $0x2800  }
0x116: {  	[sflag:s8] =	ssyncset.done $0x0  }
0x117: {  	s0 =	rddreg [dreg:$0xc];
	[sflag:s8] =	ssyncadd.s32 $0xFFFFD800  }
0x118: {  	[hbm4b:s0+s2] =	stream.linear.scatter [tilespmem:s6], [sflag:$0x3], $0x2800, $0x38;
	[tilespmem:$0x5680] =	vst v63  }
0x119: {  	_ =	swait.ge [sflag:s4], $0x2800  }
0x11a: {  	[sflag:s4] =	ssyncset.done $0x0  }
0x11b: {  	[sflag:s4] =	ssyncadd.s32 $0xFFFFD800  }
0x11c: {  	[tilespmem:s6], [sflag:$0x2] =	stream.indirect.gather [hbm4b:s3+s11], $0x80, s21, s11, $0xb8;
	[tilespmem:$0x5680] =	vst v63  }
0x11d: {  	_ =	swait.ge [sflag:s12], $0x2800  }
0x11e: {  	[sflag:s12] =	ssyncset.done $0x0  }
0x11f: {  	s0 =	rddreg [dreg:$0xd];
	[sflag:s12] =	ssyncadd.s32 $0xFFFFD800  }
0x120: {  	[hbm4b:s0+s2] =	stream.linear.scatter [tilespmem:s9], [sflag:$0x3], $0x2800, $0x38;
	[tilespmem:$0x5680] =	vst v63  }
0x121: {  	_ =	swait.ge [sflag:s4], $0x2800  }
0x122: {  	[sflag:s4] =	ssyncset.done $0x0  }
0x123: {  	[sflag:s4] =	ssyncadd.s32 $0xFFFFD800  }
0x124: {  	[tilespmem:s9], [sflag:$0x1] =	stream.indirect.gather [hbm4b:s3+s11], $0x80, s20, s11, $0xb8;
	[tilespmem:$0x5680] =	vst v63  }
0x125: {  	_ =	swait.ge [sflag:s8], $0x2800  }
0x126: {  	[sflag:s8] =	ssyncset.done $0x0  }
0x127: {  	s0 =	rddreg [dreg:$0xe];
	[sflag:s8] =	ssyncadd.s32 $0xFFFFD800  }
0x128: {  	[hbm4b:s0+s2] =	stream.linear.scatter [tilespmem:s6], [sflag:$0x3], $0x2800, $0x38;
	[tilespmem:$0x5680] =	vst v63  }
0x129: {  	_ =	swait.ge [sflag:s4], $0x2800  }
0x12a: {  	[sflag:s4] =	ssyncset.done $0x0  }
0x12b: {  	[sflag:s4] =	ssyncadd.s32 $0xFFFFD800  }
0x12c: {  	[tilespmem:s6], [sflag:$0x2] =	stream.indirect.gather [hbm4b:s3+s11], $0x80, s19, s11, $0xb8;
	[tilespmem:$0x5680] =	vst v63  }
0x12d: {  	_ =	swait.ge [sflag:s12], $0x2800  }
0x12e: {  	[sflag:s12] =	ssyncset.done $0x0  }
0x12f: {  	s0 =	rddreg [dreg:$0xf];
	[sflag:s12] =	ssyncadd.s32 $0xFFFFD800  }
0x130: {  	[hbm4b:s0+s2] =	stream.linear.scatter [tilespmem:s9], [sflag:$0x3], $0x2800, $0x38;
	[tilespmem:$0x5680] =	vst v63  }
0x131: {  	_ =	swait.ge [sflag:s4], $0x2800  }
0x132: {  	[sflag:s4] =	ssyncset.done $0x0  }
0x133: {  	[sflag:s4] =	ssyncadd.s32 $0xFFFFD800  }
0x134: {  	[tilespmem:s9], [sflag:$0x1] =	stream.indirect.gather [hbm4b:s3+s11], $0x80, s18, s11, $0xb8;
	[tilespmem:$0x5680] =	vst v63  }
0x135: {  	_ =	swait.ge [sflag:s8], $0x2800  }
0x136: {  	[sflag:s8] =	ssyncset.done $0x0  }
0x137: {  	s0 =	rddreg [dreg:$0x10];
	[sflag:s8] =	ssyncadd.s32 $0xFFFFD800  }
0x138: {  	[hbm4b:s0+s2] =	stream.linear.scatter [tilespmem:s6], [sflag:$0x3], $0x2800, $0x38;
	[tilespmem:$0x5680] =	vst v63  }
0x139: {  	_ =	swait.ge [sflag:s4], $0x2800  }
0x13a: {  	[sflag:s4] =	ssyncset.done $0x0  }
0x13b: {  	[sflag:s4] =	ssyncadd.s32 $0xFFFFD800  }
0x13c: {  	[tilespmem:s6], [sflag:$0x2] =	stream.indirect.gather [hbm4b:s3+s11], $0x80, s17, s11, $0xb8;
	[tilespmem:$0x5680] =	vst v63  }
0x13d: {  	_ =	swait.ge [sflag:s12], $0x2800  }
0x13e: {  	[sflag:s12] =	ssyncset.done $0x0  }
0x13f: {  	s0 =	rddreg [dreg:$0x11];
	[sflag:s12] =	ssyncadd.s32 $0xFFFFD800  }
0x140: {  	[hbm4b:s0+s2] =	stream.linear.scatter [tilespmem:s9], [sflag:$0x3], $0x2800, $0x38;
	[tilespmem:$0x5680] =	vst v63  }
0x141: {  	_ =	swait.ge [sflag:s4], $0x2800  }
0x142: {  	[sflag:s4] =	ssyncset.done $0x0  }
0x143: {  	[sflag:s4] =	ssyncadd.s32 $0xFFFFD800  }
0x144: {  	[tilespmem:s9], [sflag:$0x1] =	stream.indirect.gather [hbm4b:s3+s11], $0x80, s16, s11, $0xb8;
	[tilespmem:$0x5680] =	vst v63  }
0x145: {  	_ =	swait.ge [sflag:s8], $0x2800  }
0x146: {  	[sflag:s8] =	ssyncset.done $0x0  }
0x147: {  	s0 =	rddreg [dreg:$0x12];
	[sflag:s8] =	ssyncadd.s32 $0xFFFFD800  }
0x148: {  	[hbm4b:s0+s2] =	stream.linear.scatter [tilespmem:s6], [sflag:$0x3], $0x2800, $0x38;
	[tilespmem:$0x5680] =	vst v63  }
0x149: {  	_ =	swait.ge [sflag:s4], $0x2800  }
0x14a: {  	[sflag:s4] =	ssyncset.done $0x0  }
0x14b: {  	[sflag:s4] =	ssyncadd.s32 $0xFFFFD800  }
0x14c: {  	[tilespmem:s6], [sflag:$0x2] =	stream.indirect.gather [hbm4b:s3+s11], $0x80, s15, s11, $0xb8;
	[tilespmem:$0x5680] =	vst v63  }
0x14d: {  	_ =	swait.ge [sflag:s12], $0x2800  }
0x14e: {  	[sflag:s12] =	ssyncset.done $0x0  }
0x14f: {  	s0 =	rddreg [dreg:$0x13];
	[sflag:s12] =	ssyncadd.s32 $0xFFFFD800  }
0x150: {  	[hbm4b:s0+s2] =	stream.linear.scatter [tilespmem:s9], [sflag:$0x3], $0x2800, $0x38;
	[tilespmem:$0x5680] =	vst v63  }
0x151: {  	_ =	swait.ge [sflag:s4], $0x2800  }
0x152: {  	[sflag:s4] =	ssyncset.done $0x0  }
0x153: {  	[sflag:s4] =	ssyncadd.s32 $0xFFFFD800  }
0x154: {  	[tilespmem:s9], [sflag:$0x1] =	stream.indirect.gather [hbm4b:s3+s11], $0x80, s14, s11, $0xb8;
	[tilespmem:$0x5680] =	vst v63  }
0x155: {  	_ =	swait.ge [sflag:s8], $0x2800  }
0x156: {  	[sflag:s8] =	ssyncset.done $0x0  }
0x157: {  	[sflag:s8] =	ssyncadd.s32 $0xFFFFD800  }
0x158: {  	[hbm4b:s10+s2] =	stream.linear.scatter [tilespmem:s6], [sflag:$0x3], $0x2800, $0x38;
	[tilespmem:$0x5680] =	vst v63  }
0x159: {  	_ =	swait.ge [sflag:s4], $0x2800  }
0x15a: {  	[sflag:s4] =	ssyncset.done $0x0  }
0x15b: {  	[sflag:s4] =	ssyncadd.s32 $0xFFFFD800  }
0x15c: {  	[tilespmem:s6], [sflag:$0x2] =	stream.indirect.gather [hbm4b:s3+s11], $0x80, s13, s11, $0xb8;
	[tilespmem:$0x5680] =	vst v63  }
0x15d: {  	_ =	swait.ge [sflag:s12], $0x2800  }
0x15e: {  	[sflag:s12] =	ssyncset.done $0x0  }
0x15f: {  	[sflag:s12] =	ssyncadd.s32 $0xFFFFD800  }
0x160: {  	[hbm4b:s7+s2] =	stream.linear.scatter [tilespmem:s9], [sflag:$0x3], $0x2800, $0x38;
	[tilespmem:$0x5680] =	vst v63  }
0x161: {  	_ =	swait.ge [sflag:s4], $0x2800  }
0x162: {  	[sflag:s4] =	ssyncset.done $0x0  }
0x163: {  	[sflag:s4] =	ssyncadd.s32 $0xFFFFD800  }
0x164: {  	p1 =	sne.s32 s1, $0x1;
	_ =	swait.ge [sflag:s8], $0x2800  }
.Ltmp2:
0x165: {  	[sflag:s8] =	ssyncset.done $0x0;
	(pc) =	sbr.rel @p1 .LBB2_2-.Ltmp2, $4  }
0x166: {  	[sflag:s8] =	ssyncadd.s32 $0xFFFFD800  }
0x167: {  	[hbm4b:s5+s2] =	stream.linear.scatter [tilespmem:s6], [sflag:$0x3], $0x2800, $0x38;
	[tilespmem:$0x5680] =	vst v63  }
0x168: {  	_ =	swait.ge [sflag:s4], $0x2800  }
0x169: {  	s1 =	sadd.s32 $0xFFFFFFFF, s1;
	s0 =	rddreg [dreg:$0x2];
	[sflag:s4] =	ssyncset.done $0x0  }
.LBB2_3:
0x16a: {  	[sflag:s4] =	ssyncadd.s32 @p0 $0xFFFFD800  }
0x16b: {  	[tilespmem:s2], [sflag:$0x3] =	stream.linear.gather [hbm4b:s0+s2], $0x640, $0x38;
	[tilespmem:$0x5680] =	vst v63  }
0x16c: {  	_ =	swait.ge [sflag:s4], $0x640  }
0x16d: {  	[sflag:s4] =	ssyncset.done $0x0  }
0x16e: {  	[sflag:s4] =	ssyncadd.s32 $0xFFFFF9C0  }
0x16f: {  	[tilespmem:s9], [sflag:$0x1] =	stream.indirect.gather [hbm4b:s3+s11], $0x80, s2, s11, $0xb8;
	[tilespmem:$0x5680] =	vst v63  }
0x170: {  	_ = 	snop  }
0x171: {  	[tilespmem:s6], [sflag:$0x2] =	stream.indirect.gather [hbm4b:s3+s11], $0x80, s11, s11, $0xb8;
	[tilespmem:$0x5680] =	vst v63  }
0x172: {  	_ =	swait.ge [sflag:s12], $0x2800  }
0x173: {  	[sflag:s12] =	ssyncset.done $0x0  }
0x174: {  	s1 =	rddreg [dreg:$0x3];
	[sflag:s12] =	ssyncadd.s32 $0xFFFFD800  }
0x175: {  	[hbm4b:s1+s2] =	stream.linear.scatter [tilespmem:s9], [sflag:$0x3], $0x2800, $0x38;
	[tilespmem:$0x5680] =	vst v63  }
0x176: {  	_ =	swait.ge [sflag:s4], $0x2800  }
0x177: {  	[sflag:s4] =	ssyncset.done $0x0  }
0x178: {  	[sflag:s4] =	ssyncadd.s32 $0xFFFFD800  }
0x179: {  	[tilespmem:s9], [sflag:$0x1] =	stream.indirect.gather [hbm4b:s3+s11], $0x80, s31, s11, $0xb8;
	[tilespmem:$0x5680] =	vst v63  }
0x17a: {  	_ =	swait.ge [sflag:s8], $0x2800  }
0x17b: {  	[sflag:s8] =	ssyncset.done $0x0  }
0x17c: {  	s1 =	rddreg [dreg:$0x4];
	[sflag:s8] =	ssyncadd.s32 $0xFFFFD800  }
0x17d: {  	[hbm4b:s1+s2] =	stream.linear.scatter [tilespmem:s6], [sflag:$0x3], $0x2800, $0x38;
	[tilespmem:$0x5680] =	vst v63  }
0x17e: {  	_ =	swait.ge [sflag:s4], $0x2800  }
0x17f: {  	[sflag:s4] =	ssyncset.done $0x0  }
0x180: {  	[sflag:s4] =	ssyncadd.s32 $0xFFFFD800  }
0x181: {  	[tilespmem:s6], [sflag:$0x2] =	stream.indirect.gather [hbm4b:s3+s11], $0x80, s30, s11, $0xb8;
	[tilespmem:$0x5680] =	vst v63  }
0x182: {  	_ =	swait.ge [sflag:s12], $0x2800  }
0x183: {  	[sflag:s12] =	ssyncset.done $0x0  }
0x184: {  	s31 =	rddreg [dreg:$0x5];
	[sflag:s12] =	ssyncadd.s32 $0xFFFFD800  }
0x185: {  	[hbm4b:s31+s2] =	stream.linear.scatter [tilespmem:s9], [sflag:$0x3], $0x2800, $0x38;
	[tilespmem:$0x5680] =	vst v63  }
0x186: {  	_ =	swait.ge [sflag:s4], $0x2800  }
0x187: {  	[sflag:s4] =	ssyncset.done $0x0  }
0x188: {  	[sflag:s4] =	ssyncadd.s32 $0xFFFFD800  }
0x189: {  	[tilespmem:s9], [sflag:$0x1] =	stream.indirect.gather [hbm4b:s3+s11], $0x80, s29, s11, $0xb8;
	[tilespmem:$0x5680] =	vst v63  }
0x18a: {  	_ =	swait.ge [sflag:s8], $0x2800  }
0x18b: {  	[sflag:s8] =	ssyncset.done $0x0  }
0x18c: {  	s1 =	rddreg [dreg:$0x6];
	[sflag:s8] =	ssyncadd.s32 $0xFFFFD800  }
0x18d: {  	[hbm4b:s1+s2] =	stream.linear.scatter [tilespmem:s6], [sflag:$0x3], $0x2800, $0x38;
	[tilespmem:$0x5680] =	vst v63  }
0x18e: {  	_ =	swait.ge [sflag:s4], $0x2800  }
0x18f: {  	[sflag:s4] =	ssyncset.done $0x0  }
0x190: {  	[sflag:s4] =	ssyncadd.s32 $0xFFFFD800  }
0x191: {  	[tilespmem:s6], [sflag:$0x2] =	stream.indirect.gather [hbm4b:s3+s11], $0x80, s28, s11, $0xb8;
	[tilespmem:$0x5680] =	vst v63  }
0x192: {  	_ =	swait.ge [sflag:s12], $0x2800  }
0x193: {  	[sflag:s12] =	ssyncset.done $0x0  }
0x194: {  	s28 =	rddreg [dreg:$0x7];
	[sflag:s12] =	ssyncadd.s32 $0xFFFFD800  }
0x195: {  	[hbm4b:s28+s2] =	stream.linear.scatter [tilespmem:s9], [sflag:$0x3], $0x2800, $0x38;
	[tilespmem:$0x5680] =	vst v63  }
0x196: {  	_ =	swait.ge [sflag:s4], $0x2800  }
0x197: {  	[sflag:s4] =	ssyncset.done $0x0  }
0x198: {  	[sflag:s4] =	ssyncadd.s32 $0xFFFFD800  }
0x199: {  	[tilespmem:s9], [sflag:$0x1] =	stream.indirect.gather [hbm4b:s3+s11], $0x80, s26, s11, $0xb8;
	[tilespmem:$0x5680] =	vst v63  }
0x19a: {  	_ =	swait.ge [sflag:s8], $0x2800  }
0x19b: {  	[sflag:s8] =	ssyncset.done $0x0  }
0x19c: {  	s29 =	rddreg [dreg:$0x8];
	[sflag:s8] =	ssyncadd.s32 $0xFFFFD800  }
0x19d: {  	[hbm4b:s29+s2] =	stream.linear.scatter [tilespmem:s6], [sflag:$0x3], $0x2800, $0x38;
	[tilespmem:$0x5680] =	vst v63  }
0x19e: {  	_ =	swait.ge [sflag:s4], $0x2800  }
0x19f: {  	[sflag:s4] =	ssyncset.done $0x0  }
0x1a0: {  	[sflag:s4] =	ssyncadd.s32 $0xFFFFD800  }
0x1a1: {  	[tilespmem:s6], [sflag:$0x2] =	stream.indirect.gather [hbm4b:s3+s11], $0x80, s25, s11, $0xb8;
	[tilespmem:$0x5680] =	vst v63  }
0x1a2: {  	_ =	swait.ge [sflag:s12], $0x2800  }
0x1a3: {  	[sflag:s12] =	ssyncset.done $0x0  }
0x1a4: {  	s30 =	rddreg [dreg:$0x9];
	[sflag:s12] =	ssyncadd.s32 $0xFFFFD800  }
0x1a5: {  	[hbm4b:s30+s2] =	stream.linear.scatter [tilespmem:s9], [sflag:$0x3], $0x2800, $0x38;
	[tilespmem:$0x5680] =	vst v63  }
0x1a6: {  	_ =	swait.ge [sflag:s4], $0x2800  }
0x1a7: {  	[sflag:s4] =	ssyncset.done $0x0  }
0x1a8: {  	[sflag:s4] =	ssyncadd.s32 $0xFFFFD800  }
0x1a9: {  	[tilespmem:s9], [sflag:$0x1] =	stream.indirect.gather [hbm4b:s3+s11], $0x80, s24, s11, $0xb8;
	[tilespmem:$0x5680] =	vst v63  }
0x1aa: {  	_ =	swait.ge [sflag:s8], $0x2800  }
0x1ab: {  	[sflag:s8] =	ssyncset.done $0x0  }
0x1ac: {  	s31 =	rddreg [dreg:$0xa];
	[sflag:s8] =	ssyncadd.s32 $0xFFFFD800  }
0x1ad: {  	[hbm4b:s31+s2] =	stream.linear.scatter [tilespmem:s6], [sflag:$0x3], $0x2800, $0x38;
	[tilespmem:$0x5680] =	vst v63  }
0x1ae: {  	_ =	swait.ge [sflag:s4], $0x2800  }
0x1af: {  	[sflag:s4] =	ssyncset.done $0x0  }
0x1b0: {  	[sflag:s4] =	ssyncadd.s32 $0xFFFFD800  }
0x1b1: {  	[tilespmem:s6], [sflag:$0x2] =	stream.indirect.gather [hbm4b:s3+s11], $0x80, s23, s11, $0xb8;
	[tilespmem:$0x5680] =	vst v63  }
0x1b2: {  	_ =	swait.ge [sflag:s12], $0x2800  }
0x1b3: {  	[sflag:s12] =	ssyncset.done $0x0  }
0x1b4: {  	s1 =	rddreg [dreg:$0xb];
	[sflag:s12] =	ssyncadd.s32 $0xFFFFD800  }
0x1b5: {  	[hbm4b:s1+s2] =	stream.linear.scatter [tilespmem:s9], [sflag:$0x3], $0x2800, $0x38;
	[tilespmem:$0x5680] =	vst v63  }
0x1b6: {  	_ =	swait.ge [sflag:s4], $0x2800  }
0x1b7: {  	[sflag:s4] =	ssyncset.done $0x0  }
0x1b8: {  	[sflag:s4] =	ssyncadd.s32 $0xFFFFD800  }
0x1b9: {  	[tilespmem:s9], [sflag:$0x1] =	stream.indirect.gather [hbm4b:s3+s11], $0x80, s22, s11, $0xb8;
	[tilespmem:$0x5680] =	vst v63  }
0x1ba: {  	_ =	swait.ge [sflag:s8], $0x2800  }
0x1bb: {  	[sflag:s8] =	ssyncset.done $0x0  }
0x1bc: {  	s22 =	rddreg [dreg:$0xc];
	[sflag:s8] =	ssyncadd.s32 $0xFFFFD800  }
0x1bd: {  	[hbm4b:s22+s2] =	stream.linear.scatter [tilespmem:s6], [sflag:$0x3], $0x2800, $0x38;
	[tilespmem:$0x5680] =	vst v63  }
0x1be: {  	_ =	swait.ge [sflag:s4], $0x2800  }
0x1bf: {  	[sflag:s4] =	ssyncset.done $0x0  }
0x1c0: {  	[sflag:s4] =	ssyncadd.s32 $0xFFFFD800  }
0x1c1: {  	[tilespmem:s6], [sflag:$0x2] =	stream.indirect.gather [hbm4b:s3+s11], $0x80, s21, s11, $0xb8;
	[tilespmem:$0x5680] =	vst v63  }
0x1c2: {  	_ =	swait.ge [sflag:s12], $0x2800  }
0x1c3: {  	[sflag:s12] =	ssyncset.done $0x0  }
0x1c4: {  	s23 =	rddreg [dreg:$0xd];
	[sflag:s12] =	ssyncadd.s32 $0xFFFFD800  }
0x1c5: {  	[hbm4b:s23+s2] =	stream.linear.scatter [tilespmem:s9], [sflag:$0x3], $0x2800, $0x38;
	[tilespmem:$0x5680] =	vst v63  }
0x1c6: {  	_ =	swait.ge [sflag:s4], $0x2800  }
0x1c7: {  	[sflag:s4] =	ssyncset.done $0x0  }
0x1c8: {  	[sflag:s4] =	ssyncadd.s32 $0xFFFFD800  }
0x1c9: {  	[tilespmem:s9], [sflag:$0x1] =	stream.indirect.gather [hbm4b:s3+s11], $0x80, s20, s11, $0xb8;
	[tilespmem:$0x5680] =	vst v63  }
0x1ca: {  	_ =	swait.ge [sflag:s8], $0x2800  }
0x1cb: {  	[sflag:s8] =	ssyncset.done $0x0  }
0x1cc: {  	s24 =	rddreg [dreg:$0xe];
	[sflag:s8] =	ssyncadd.s32 $0xFFFFD800  }
0x1cd: {  	[hbm4b:s24+s2] =	stream.linear.scatter [tilespmem:s6], [sflag:$0x3], $0x2800, $0x38;
	[tilespmem:$0x5680] =	vst v63  }
0x1ce: {  	_ =	swait.ge [sflag:s4], $0x2800  }
0x1cf: {  	[sflag:s4] =	ssyncset.done $0x0  }
0x1d0: {  	[sflag:s4] =	ssyncadd.s32 $0xFFFFD800  }
0x1d1: {  	[tilespmem:s6], [sflag:$0x2] =	stream.indirect.gather [hbm4b:s3+s11], $0x80, s19, s11, $0xb8;
	[tilespmem:$0x5680] =	vst v63  }
0x1d2: {  	_ =	swait.ge [sflag:s12], $0x2800  }
0x1d3: {  	[sflag:s12] =	ssyncset.done $0x0  }
0x1d4: {  	s25 =	rddreg [dreg:$0xf];
	[sflag:s12] =	ssyncadd.s32 $0xFFFFD800  }
0x1d5: {  	[hbm4b:s25+s2] =	stream.linear.scatter [tilespmem:s9], [sflag:$0x3], $0x2800, $0x38;
	[tilespmem:$0x5680] =	vst v63  }
0x1d6: {  	_ =	swait.ge [sflag:s4], $0x2800  }
0x1d7: {  	[sflag:s4] =	ssyncset.done $0x0  }
0x1d8: {  	[sflag:s4] =	ssyncadd.s32 $0xFFFFD800  }
0x1d9: {  	[tilespmem:s9], [sflag:$0x1] =	stream.indirect.gather [hbm4b:s3+s11], $0x80, s18, s11, $0xb8;
	[tilespmem:$0x5680] =	vst v63  }
0x1da: {  	_ =	swait.ge [sflag:s8], $0x2800  }
0x1db: {  	[sflag:s8] =	ssyncset.done $0x0  }
0x1dc: {  	s26 =	rddreg [dreg:$0x10];
	[sflag:s8] =	ssyncadd.s32 $0xFFFFD800  }
0x1dd: {  	[hbm4b:s26+s2] =	stream.linear.scatter [tilespmem:s6], [sflag:$0x3], $0x2800, $0x38;
	[tilespmem:$0x5680] =	vst v63  }
0x1de: {  	_ =	swait.ge [sflag:s4], $0x2800  }
0x1df: {  	[sflag:s4] =	ssyncset.done $0x0  }
0x1e0: {  	[sflag:s4] =	ssyncadd.s32 $0xFFFFD800  }
0x1e1: {  	[tilespmem:s6], [sflag:$0x2] =	stream.indirect.gather [hbm4b:s3+s11], $0x80, s17, s11, $0xb8;
	[tilespmem:$0x5680] =	vst v63  }
0x1e2: {  	_ =	swait.ge [sflag:s12], $0x2800  }
0x1e3: {  	[sflag:s12] =	ssyncset.done $0x0  }
0x1e4: {  	s28 =	rddreg [dreg:$0x11];
	[sflag:s12] =	ssyncadd.s32 $0xFFFFD800  }
0x1e5: {  	[hbm4b:s28+s2] =	stream.linear.scatter [tilespmem:s9], [sflag:$0x3], $0x2800, $0x38;
	[tilespmem:$0x5680] =	vst v63  }
0x1e6: {  	_ =	swait.ge [sflag:s4], $0x2800  }
0x1e7: {  	[sflag:s4] =	ssyncset.done $0x0  }
0x1e8: {  	[sflag:s4] =	ssyncadd.s32 $0xFFFFD800  }
0x1e9: {  	[tilespmem:s9], [sflag:$0x1] =	stream.indirect.gather [hbm4b:s3+s11], $0x80, s16, s11, $0xb8;
	[tilespmem:$0x5680] =	vst v63  }
0x1ea: {  	_ =	swait.ge [sflag:s8], $0x2800  }
0x1eb: {  	[sflag:s8] =	ssyncset.done $0x0  }
0x1ec: {  	s29 =	rddreg [dreg:$0x12];
	[sflag:s8] =	ssyncadd.s32 $0xFFFFD800  }
0x1ed: {  	[hbm4b:s29+s2] =	stream.linear.scatter [tilespmem:s6], [sflag:$0x3], $0x2800, $0x38;
	[tilespmem:$0x5680] =	vst v63  }
0x1ee: {  	_ =	swait.ge [sflag:s4], $0x2800  }
0x1ef: {  	[sflag:s4] =	ssyncset.done $0x0  }
0x1f0: {  	[sflag:s4] =	ssyncadd.s32 $0xFFFFD800  }
0x1f1: {  	[tilespmem:s6], [sflag:$0x2] =	stream.indirect.gather [hbm4b:s3+s11], $0x80, s15, s11, $0xb8;
	[tilespmem:$0x5680] =	vst v63  }
0x1f2: {  	_ =	swait.ge [sflag:s12], $0x2800  }
0x1f3: {  	[sflag:s12] =	ssyncset.done $0x0  }
0x1f4: {  	s30 =	rddreg [dreg:$0x13];
	[sflag:s12] =	ssyncadd.s32 $0xFFFFD800  }
0x1f5: {  	[hbm4b:s30+s2] =	stream.linear.scatter [tilespmem:s9], [sflag:$0x3], $0x2800, $0x38;
	[tilespmem:$0x5680] =	vst v63  }
0x1f6: {  	_ =	swait.ge [sflag:s4], $0x2800  }
0x1f7: {  	[sflag:s4] =	ssyncset.done $0x0  }
0x1f8: {  	[sflag:s4] =	ssyncadd.s32 $0xFFFFD800  }
0x1f9: {  	[tilespmem:s9], [sflag:$0x1] =	stream.indirect.gather [hbm4b:s3+s11], $0x80, s14, s11, $0xb8;
	[tilespmem:$0x5680] =	vst v63  }
0x1fa: {  	_ =	swait.ge [sflag:s8], $0x2800  }
0x1fb: {  	[sflag:s8] =	ssyncset.done $0x0  }
0x1fc: {  	[sflag:s8] =	ssyncadd.s32 $0xFFFFD800  }
0x1fd: {  	[hbm4b:s10+s2] =	stream.linear.scatter [tilespmem:s6], [sflag:$0x3], $0x2800, $0x38;
	[tilespmem:$0x5680] =	vst v63  }
0x1fe: {  	_ =	swait.ge [sflag:s4], $0x2800  }
0x1ff: {  	[sflag:s4] =	ssyncset.done $0x0  }
0x200: {  	[sflag:s4] =	ssyncadd.s32 $0xFFFFD800  }
0x201: {  	[tilespmem:s6], [sflag:$0x2] =	stream.indirect.gather [hbm4b:s3+s11], $0x80, s13, s11, $0xb8;
	[tilespmem:$0x5680] =	vst v63  }
0x202: {  	_ =	swait.ge [sflag:s12], $0x2800  }
0x203: {  	[sflag:s12] =	ssyncset.done $0x0  }
0x204: {  	[sflag:s12] =	ssyncadd.s32 $0xFFFFD800  }
0x205: {  	[hbm4b:s7+s2] =	stream.linear.scatter [tilespmem:s9], [sflag:$0x3], $0x2800, $0x38;
	[tilespmem:$0x5680] =	vst v63  }
0x206: {  	_ =	swait.ge [sflag:s4], $0x2800  }
0x207: {  	[sflag:s4] =	ssyncset.done $0x0  }
0x208: {  	[sflag:s4] =	ssyncadd.s32 $0xFFFFD800  }
0x209: {  	_ =	swait.ge [sflag:s8], $0x2800  }
0x20a: {  	[sflag:s8] =	ssyncset.done $0x0  }
0x20b: {  	[sflag:s8] =	ssyncadd.s32 $0xFFFFD800  }
0x20c: {  	[hbm4b:s5+s2] =	stream.linear.scatter [tilespmem:s6], [sflag:$0x3], $0x2800, $0x38;
	[tilespmem:$0x5680] =	vst v63  }
0x20d: {  	_ =	swait.ge [sflag:s4], $0x2800  }
0x20e: {  	[sflag:s4] =	ssyncset.done $0x0  }
0x20f: {  	[sflag:s4] =	ssyncadd.s32 $0xFFFFD800  }
0x210: {  	_ =	sfence.sel $0x180000  }
0x211: {  	[bflag:$0x0] =	sbarrier.arrive $0xFFFF  }
0x212: {  	_ =	strace $0x90000047  }
0x213: {  	s31 =	stileid.u32;
	[bflag:$0x2] =	sbarrier.arrive $0xFFFF  }
0x214: {  	p0 =	sne.s32 s31, $0x0;
	s0 =	rddreg [dreg:$0x1]  }
0x215: {  	s0 =	sadd.s32 @!p0 $0x100000, s0  }
0x216: {  	[sflag:s0] =	ssyncadd.tile.s32 @!p0 $0x1;
	_ =	shalt  }
.Lfunc_end2:
_tile_overlayer_lowered:
.L_overlay_start_2:
0x217: {  	(tag) =	ssettag $0x2  }
0x218: {  	s0 =	rddreg [dreg:$0x0];
	s2 =	stileid.u32  }
0x219: {  	s1 =	rddreg [dreg:$0x1];
	p0 =	sne.s32 s2, $0x0  }
0x21a: {  	s3 =	rddreg [dreg:$0x2];
	[bflag:$0x3] =	sbarrier.arrive $0xFFFF;
	s2 =	simm.s32 @!p0 $0x1C03  }
0x21b: {  	[timem:s3], [sflag:s2] =	dma.local @!p0 [hbm:s0], s1  }
0x21c: {  	s0 =	simm.s32 @!p0 $0x3  }
0x21d: {  	_ =	swait.ge @!p0 [sflag:s0], s1  }
0x21e: {  	s1 =	ssub.s32 @!p0 $0x0, s1;
	[sflag:s0] =	ssyncset.done @!p0 $0x0  }
0x21f: {  	[sflag:s0] =	ssyncadd.s32 @!p0 s1  }
0x220: {  	[bflag:$0x3] =	sbarrier.arrive $0xFFFF  }
0x221: {  	_ =	shalt  }

</sc_bundles>
